<compile_context>
chip_gen: v7x
topology: tpu7x:2x2x1
jax: 0.10.2.dev20260603
libtpu: 0.0.44.dev20260713+nightly
codegen_flags: <defaults>
</compile_context>

<pallas_src>
import jax
import jax.numpy as jnp
from jax.experimental import pallas as pl
from jax.experimental.pallas import tpu as pltpu
from jax.experimental.pallas import tpu_sc as plsc


_WINDOW = 1024


def _gather_rows(table, idx_fm, batch, fields):
    emb = table.shape[1]
    mesh = plsc.VectorSubcoreMesh(core_axis_name="core",
                                  subcore_axis_name="subcore")

    @pl.kernel(out_type=jax.ShapeDtypeStruct((batch, fields, emb), table.dtype),
               mesh=mesh,
               compiler_params=pltpu.CompilerParams(use_tc_tiling_on_sc=False))
    def kern(x_hbm, i_hbm, o_hbm):
        def body(i_vmem, o_vmem):
            pltpu.sync_copy(x_hbm.at[i_vmem.at[0]], o_vmem.at[:, 0])

        pltpu.emit_pipeline(
            body,
            grid=(fields, batch // _WINDOW),
            in_specs=[pl.BlockSpec((1, _WINDOW), index_map=lambda f, j: (f, j))],
            out_specs=[pl.BlockSpec((_WINDOW, 1, emb),
                                    index_map=lambda f, j: (j, f, 0))],
            core_axis_name=("core", "subcore"),
            dimension_semantics=(pltpu.PARALLEL, pltpu.PARALLEL),
        )(i_hbm, o_hbm)

    return kern(table, idx_fm)


def kernel(inputs, embedding_weights):
    batch, fields = inputs.shape
    idx_fm = jnp.transpose(inputs).astype(jnp.int32)
    return _gather_rows(embedding_weights, idx_fm, batch, fields)

# --- scband reference (transcript-rebuilt; emitter-appended) ---
"""Pipeline reference for scband-tfdistributed-embedding-76828374991710 (READ-ONLY COPY).

The authoritative reference and input builder live on the scoring server;
editing this copy changes nothing except your own understanding.
"""

import jax, jax.numpy as jnp
import numpy as np

VOCAB = 1000000
EMB = 32
BATCH = 16384
FIELDS = 26

def setup_inputs(seed: int = 0) -> dict:
    key = jax.random.key(seed)
    k_idx, k_tab = jax.random.split(key)
    inputs = jax.random.randint(k_idx, (BATCH, FIELDS), 0, VOCAB, dtype=jnp.int64 if jax.config.jax_enable_x64 else jnp.int32)
    # GlorotNormal init for [VOCAB, EMB] table: std = sqrt(2 / (fan_in + fan_out))
    std = float(np.sqrt(2.0 / (VOCAB + EMB)))
    embedding_weights = jax.random.normal(k_tab, (VOCAB, EMB), dtype=jnp.float32) * std
    return {"inputs": inputs, "embedding_weights": embedding_weights}

def reference(inputs, embedding_weights):
    # Single-replica semantics of TFDistributedEmbedding.call:
    # flatten ids, all_gather is identity with 1 replica, condition (id % 1 == 0)
    # selects every id, lookup, then the argsort-based permutation restores the
    # original order, reshape to [*inputs.shape, embedding_vec_size].
    flat = jnp.reshape(inputs, (-1,))
    vectors = jnp.take(embedding_weights, flat, axis=0)
    out = jnp.reshape(vectors, inputs.shape + (embedding_weights.shape[1],))
    return out

if __name__ == "__main__":
    import jax
    _d = setup_inputs()
    print(jax.jit(kernel)(*tuple(_d.values())))

</pallas_src>

<mosaic_0001>
#map = affine_map<(d0, d1) -> (0, 0)>
#map1 = affine_map<(d0, d1) -> (0, 0, 0)>
module attributes {stable_mosaic.version = 14 : i64} {
  func.func @kern(%arg0: i32, %arg1: i32, %arg2: memref<1000000x32xf32, #tpu.memory_space<hbm>>, %arg3: memref<26x16384xi32, #tpu.memory_space<hbm>>, %arg4: memref<16384x26x32xf32, #tpu.memory_space<hbm>>) attributes {dimension_semantics = [#tpu.dimension_semantics<core_parallel>, #tpu.dimension_semantics<subcore_parallel>], iteration_bounds = array<i64: 2, 16>, scalar_prefetch = 0 : i64, scratch_operands = 0 : i64, tpu.core_type = #tpu.core_type<sc_vector_subcore>, window_params = [{transform_indices = #map}, {transform_indices = #map}, {transform_indices = #map1}]} {
    %mul3A = arith.constant 1 : i32
    %mul3A_0 = arith.muli %arg1, %mul3A : i32
    %add3A = arith.constant 0 : i32
    %add3A_1 = arith.addi %add3A, %mul3A_0 : i32
    %mul3A_2 = arith.constant 16 : i32
    %mul3A_3 = arith.muli %arg0, %mul3A_2 : i32
    %add3A_4 = arith.addi %add3A_1, %mul3A_3 : i32
    %lt3A = arith.constant 26 : i32
    %lt3A_5 = arith.cmpi slt, %add3A_4, %lt3A : i32
    %jit3A = arith.constant 1 : i32
    %jit3A_6 = arith.constant 0 : i32
    %select_n3A = arith.select %lt3A_5, %jit3A, %jit3A_6 : i32
    %lt3A_7 = arith.constant 26 : i32
    %lt3A_8 = arith.cmpi slt, %add3A_4, %lt3A_7 : i32
    %mul3A_9 = arith.muli %add3A_4, %select_n3A : i32
    %mul3A_10 = arith.constant 0 : i32
    %mul3A_11 = arith.muli %add3A_4, %mul3A_10 : i32
    %add3A_12 = arith.constant 26 : i32
    %add3A_13 = arith.addi %mul3A_11, %add3A_12 : i32
    %select_n3A_14 = arith.select %lt3A_8, %mul3A_9, %add3A_13 : i32
    %mul3A_15 = arith.constant 1 : i32
    %mul3A_16 = arith.muli %mul3A_15, %select_n3A : i32
    %mul3A_17 = arith.constant 16 : i32
    %mul3A_18 = arith.muli %mul3A_16, %mul3A_17 : i32
    "tpu.region"() ({
      %run_scoped3A = memref.alloca() : memref<2x1x1024xi32, #tpu.memory_space<vmem>>
      %run_scoped3A_19 = tpu.sem_alloc : memref<2x!tpu.dma_semaphore, #tpu.memory_space<semaphore_mem>>
      %run_scoped3A_20 = memref.alloca() : memref<2x1024x1x32xf32, #tpu.memory_space<vmem>>
      %run_scoped3A_21 = tpu.sem_alloc : memref<2x!tpu.dma_semaphore, #tpu.memory_space<semaphore_mem>>
      %gt3A = arith.constant 0 : i32
      %gt3A_22 = arith.cmpi sgt, %mul3A_18, %gt3A : i32
      %convert_element_type3A = arith.extui %gt3A_22 : i1 to i32
      %cond3A = arith.constant 0 : i32
      %cond3A_23 = arith.cmpi ne, %convert_element_type3A, %cond3A : i32
      scf.if %cond3A_23 {
        %mul3A_24 = arith.constant 1 : i32
        %mul3A_25 = arith.muli %mul3A_24, %select_n3A : i32
        %mul3A_26 = arith.constant 16 : i32
        %mul3A_27 = arith.muli %mul3A_25, %mul3A_26 : i32
        %sub3A = arith.constant 1 : i32
        %sub3A_28 = arith.subi %mul3A_27, %sub3A : i32
        %eq3A = arith.constant 0 : i32
        %eq3A_29 = arith.cmpi eq, %sub3A_28, %eq3A : i32
        %add3A_30 = arith.constant 0 : i32
        %add3A_31 = arith.addi %add3A_30, %select_n3A_14 : i32
        %select_n3A_32 = arith.constant true
        %select_n3A_33 = arith.constant 0 : i32
        %select_n3A_34 = arith.constant -1 : i32
        %select_n3A_35 = arith.select %select_n3A_32, %select_n3A_34, %select_n3A_33 : i32
        %eq3A_36 = arith.constant -1 : i32
        %eq3A_37 = arith.cmpi eq, %select_n3A_35, %eq3A_36 : i32
        %select_n3A_38 = arith.constant 15 : i32
        %select_n3A_39 = arith.select %eq3A_37, %select_n3A_38, %select_n3A_35 : i32
        %select_n3A_40 = arith.constant 0 : i32
        %select_n3A_41 = arith.constant -1 : i32
        %select_n3A_42 = arith.select %eq3A_37, %select_n3A_41, %select_n3A_40 : i32
        %eq3A_43 = arith.constant -1 : i32
        %eq3A_44 = arith.cmpi eq, %select_n3A_42, %eq3A_43 : i32
        %sub3A_45 = arith.constant 1 : i32
        %sub3A_46 = arith.subi %select_n3A, %sub3A_45 : i32
        %select_n3A_47 = arith.select %eq3A_44, %sub3A_46, %select_n3A_42 : i32
        %add3A_48 = arith.addi %select_n3A_47, %select_n3A_14 : i32
        %add3A_49 = arith.constant 0 : i32
        %add3A_50 = arith.addi %select_n3A_39, %add3A_49 : i32
        %select_n3A_51 = arith.constant true
        %select_n3A_52 = arith.constant 0 : i32
        %select_n3A_53 = arith.constant 1 : i32
        %select_n3A_54 = arith.select %select_n3A_51, %select_n3A_53, %select_n3A_52 : i32
        %eq3A_55 = arith.constant 16 : i32
        %eq3A_56 = arith.cmpi eq, %select_n3A_54, %eq3A_55 : i32
        %select_n3A_57 = arith.constant 0 : i32
        %select_n3A_58 = arith.select %eq3A_56, %select_n3A_57, %select_n3A_54 : i32
        %select_n3A_59 = arith.constant 0 : i32
        %select_n3A_60 = arith.constant 1 : i32
        %select_n3A_61 = arith.select %eq3A_56, %select_n3A_60, %select_n3A_59 : i32
        %eq3A_62 = arith.cmpi eq, %select_n3A_61, %select_n3A : i32
        %select_n3A_63 = arith.constant 0 : i32
        %select_n3A_64 = arith.select %eq3A_62, %select_n3A_63, %select_n3A_61 : i32
        %add3A_65 = arith.addi %select_n3A_64, %select_n3A_14 : i32
        %add3A_66 = arith.constant 0 : i32
        %add3A_67 = arith.addi %select_n3A_58, %add3A_66 : i32
        %add3A_68 = arith.constant 1 : i32
        %add3A_69 = arith.addi %select_n3A_58, %add3A_68 : i32
        %select_n3A_70 = arith.constant true
        %select_n3A_71 = arith.select %select_n3A_70, %add3A_69, %select_n3A_58 : i32
        %eq3A_72 = arith.constant 16 : i32
        %eq3A_73 = arith.cmpi eq, %select_n3A_71, %eq3A_72 : i32
        %select_n3A_74 = arith.constant 0 : i32
        %select_n3A_75 = arith.select %eq3A_73, %select_n3A_74, %select_n3A_71 : i32
        %add3A_76 = arith.constant 1 : i32
        %add3A_77 = arith.addi %select_n3A_64, %add3A_76 : i32
        %select_n3A_78 = arith.select %eq3A_73, %add3A_77, %select_n3A_64 : i32
        %eq3A_79 = arith.cmpi eq, %select_n3A_78, %select_n3A : i32
        %select_n3A_80 = arith.constant 0 : i32
        %select_n3A_81 = arith.select %eq3A_79, %select_n3A_80, %select_n3A_78 : i32
        %add3A_82 = arith.addi %select_n3A_81, %select_n3A_14 : i32
        %add3A_83 = arith.constant 0 : i32
        %add3A_84 = arith.addi %select_n3A_75, %add3A_83 : i32
        "tpu.trace_start"() <{level = 10 : i32, message = "ep_initialize_0"}> : () -> ()
        %rem3A = arith.constant 0 : i32
        %rem3A_85 = arith.constant 2 : i32
        %rem3A_86 = arith.remui %rem3A, %rem3A_85 : i32
        %mul3A_87 = arith.constant 1 : i32
        %mul3A_88 = arith.muli %mul3A_87, %add3A_31 : i32
        %dma_start3A = arith.constant 0 : i32
        %dma_start3A_89 = arith.constant 0 : i32
        %dma_start3A_90 = tpu.memref_slice %run_scoped3A[%rem3A_86, %dma_start3A, %dma_start3A_89] : memref<2x1x1024xi32, #tpu.memory_space<vmem>> -> memref<1x1x1024xi32, #tpu.memory_space<vmem>>
        %dma_start3A_91 = tpu.memref_squeeze %dma_start3A_90 : memref<1x1x1024xi32, #tpu.memory_space<vmem>> -> memref<1x1024xi32, #tpu.memory_space<vmem>>
        %dma_start3A_92 = arith.constant 0 : i32
        %dma_start3A_93 = tpu.memref_slice %arg3[%mul3A_88, %dma_start3A_92] : memref<26x16384xi32, #tpu.memory_space<hbm>> -> memref<1x1024xi32, #tpu.memory_space<hbm>>
        %dma_start3A_94 = tpu.memref_slice %run_scoped3A_19[%rem3A_86] : memref<2x!tpu.dma_semaphore, #tpu.memory_space<semaphore_mem>> -> memref<1x!tpu.dma_semaphore, #tpu.memory_space<semaphore_mem>>
        %dma_start3A_95 = tpu.memref_squeeze %dma_start3A_94 : memref<1x!tpu.dma_semaphore, #tpu.memory_space<semaphore_mem>> -> memref<!tpu.dma_semaphore, #tpu.memory_space<semaphore_mem>>
        %dma_start3A_96 = arith.constant 0 : i32
        %dma_start3A_97 = arith.constant 0 : i32
        %dma_start3A_98 = tpu.memref_slice %run_scoped3A[%rem3A_86, %dma_start3A_96, %dma_start3A_97] : memref<2x1x1024xi32, #tpu.memory_space<vmem>> -> memref<1x1x1024xi32, #tpu.memory_space<vmem>>
        %dma_start3A_99 = tpu.memref_squeeze %dma_start3A_98 : memref<1x1x1024xi32, #tpu.memory_space<vmem>> -> memref<1x1024xi32, #tpu.memory_space<vmem>>
        %dma_start3A_100 = arith.constant 0 : i32
        %dma_start3A_101 = tpu.memref_slice %arg3[%mul3A_88, %dma_start3A_100] : memref<26x16384xi32, #tpu.memory_space<hbm>> -> memref<1x1024xi32, #tpu.memory_space<hbm>>
        tpu.enqueue_dma source(%dma_start3A_101 : memref<1x1024xi32, #tpu.memory_space<hbm>>) target(%dma_start3A_99 : memref<1x1024xi32, #tpu.memory_space<vmem>>) target_semaphore(%dma_start3A_95 : memref<!tpu.dma_semaphore, #tpu.memory_space<semaphore_mem>>)
        %add3A_102 = arith.constant 0 : i32
        %add3A_103 = arith.constant 1 : i32
        %add3A_104 = arith.addi %add3A_102, %add3A_103 : i32
        %select_n3A_105 = arith.constant true
        %select_n3A_106 = arith.constant 0 : i32
        %select_n3A_107 = arith.select %select_n3A_105, %add3A_104, %select_n3A_106 : i32
        %while3A = arith.constant 0 : i32
        %while3A_108 = arith.constant 0 : i32
        %while3A_109 = arith.constant 0 : i32
        %while3A_110 = arith.constant 0 : i32
        %while3A_111 = arith.constant 0 : i32
        %while3A_112 = arith.constant 0 : i32
        "tpu.trace_stop"() : () -> ()
        %while3A_113 = arith.subi %mul3A_18, %while3A : i32
        %while3A_114 = arith.addi %while3A, %while3A_113 : i32
        %while3A_115 = arith.constant 1 : i32
        %while3A_116 = arith.divsi %while3A_113, %while3A_115 : i32
        %while3A_117 = arith.muli %while3A_116, %while3A_115 : i32
        %while3A_118 = arith.addi %while3A, %while3A_117 : i32
        %while3A_119 = arith.constant 1 : i32
        %while3A_120:6 = scf.for %while3A_212 = %while3A to %while3A_118 step %while3A_119 iter_args(%while3A_213 = %select_n3A_107, %while3A_214 = %while3A_108, %while3A_215 = %while3A_109, %while3A_216 = %while3A_110, %while3A_217 = %while3A_111, %while3A_218 = %while3A_112) -> (i32, i32, i32, i32, i32, i32)  : i32 {
          %mul3A_219 = arith.constant 1 : i32
          %mul3A_220 = arith.muli %mul3A_219, %select_n3A : i32
          %mul3A_221 = arith.constant 16 : i32
          %mul3A_222 = arith.muli %mul3A_220, %mul3A_221 : i32
          %eq3A_223 = arith.constant 0 : i32
          %eq3A_224 = arith.cmpi eq, %while3A_212, %eq3A_223 : i32
          %sub3A_225 = arith.constant 1 : i32
          %sub3A_226 = arith.subi %mul3A_222, %sub3A_225 : i32
          %eq3A_227 = arith.cmpi eq, %while3A_212, %sub3A_226 : i32
          %add3A_228 = arith.addi %while3A_217, %select_n3A_14 : i32
          %add3A_229 = arith.constant 0 : i32
          %add3A_230 = arith.addi %while3A_218, %add3A_229 : i32
          %sub3A_231 = arith.constant 1 : i32
          %sub3A_232 = arith.subi %while3A_218, %sub3A_231 : i32
          %select_n3A_233 = arith.constant true
          %select_n3A_234 = arith.select %select_n3A_233, %sub3A_232, %while3A_218 : i32
          %eq3A_235 = arith.constant -1 : i32
          %eq3A_236 = arith.cmpi eq, %select_n3A_234, %eq3A_235 : i32
          %select_n3A_237 = arith.constant 15 : i32
          %select_n3A_238 = arith.select %eq3A_236, %select_n3A_237, %select_n3A_234 : i32
          %sub3A_239 = arith.constant 1 : i32
          %sub3A_240 = arith.subi %while3A_217, %sub3A_239 : i32
          %select_n3A_241 = arith.select %eq3A_236, %sub3A_240, %while3A_217 : i32
          %eq3A_242 = arith.constant -1 : i32
          %eq3A_243 = arith.cmpi eq, %select_n3A_241, %eq3A_242 : i32
          %sub3A_244 = arith.constant 1 : i32
          %sub3A_245 = arith.subi %select_n3A, %sub3A_244 : i32
          %select_n3A_246 = arith.select %eq3A_243, %sub3A_245, %select_n3A_241 : i32
          %add3A_247 = arith.addi %select_n3A_246, %select_n3A_14 : i32
          %add3A_248 = arith.constant 0 : i32
          %add3A_249 = arith.addi %select_n3A_238, %add3A_248 : i32
          %add3A_250 = arith.constant 1 : i32
          %add3A_251 = arith.addi %while3A_218, %add3A_250 : i32
          %select_n3A_252 = arith.constant true
          %select_n3A_253 = arith.select %select_n3A_252, %add3A_251, %while3A_218 : i32
          %eq3A_254 = arith.constant 16 : i32
          %eq3A_255 = arith.cmpi eq, %select_n3A_253, %eq3A_254 : i32
          %select_n3A_256 = arith.constant 0 : i32
          %select_n3A_257 = arith.select %eq3A_255, %select_n3A_256, %select_n3A_253 : i32
          %add3A_258 = arith.constant 1 : i32
          %add3A_259 = arith.addi %while3A_217, %add3A_258 : i32
          %select_n3A_260 = arith.select %eq3A_255, %add3A_259, %while3A_217 : i32
          %eq3A_261 = arith.cmpi eq, %select_n3A_260, %select_n3A : i32
          %select_n3A_262 = arith.constant 0 : i32
          %select_n3A_263 = arith.select %eq3A_261, %select_n3A_262, %select_n3A_260 : i32
          %add3A_264 = arith.addi %select_n3A_263, %select_n3A_14 : i32
          %add3A_265 = arith.constant 0 : i32
          %add3A_266 = arith.addi %select_n3A_257, %add3A_265 : i32
          %add3A_267 = arith.constant 1 : i32
          %add3A_268 = arith.addi %select_n3A_257, %add3A_267 : i32
          %select_n3A_269 = arith.constant true
          %select_n3A_270 = arith.select %select_n3A_269, %add3A_268, %select_n3A_257 : i32
          %eq3A_271 = arith.constant 16 : i32
          %eq3A_272 = arith.cmpi eq, %select_n3A_270, %eq3A_271 : i32
          %select_n3A_273 = arith.constant 0 : i32
          %select_n3A_274 = arith.select %eq3A_272, %select_n3A_273, %select_n3A_270 : i32
          %add3A_275 = arith.constant 1 : i32
          %add3A_276 = arith.addi %select_n3A_263, %add3A_275 : i32
          %select_n3A_277 = arith.select %eq3A_272, %add3A_276, %select_n3A_263 : i32
          %eq3A_278 = arith.cmpi eq, %select_n3A_277, %select_n3A : i32
          %select_n3A_279 = arith.constant 0 : i32
          %select_n3A_280 = arith.select %eq3A_278, %select_n3A_279, %select_n3A_277 : i32
          %add3A_281 = arith.addi %select_n3A_280, %select_n3A_14 : i32
          %add3A_282 = arith.constant 0 : i32
          %add3A_283 = arith.addi %select_n3A_274, %add3A_282 : i32
          %ne3A = arith.cmpi ne, %add3A_228, %add3A_264 : i32
          %ne3A_284 = arith.cmpi ne, %add3A_230, %add3A_266 : i32
          %or3A = arith.constant false
          %or3A_285 = arith.ori %or3A, %ne3A : i1
          %or3A_286 = arith.ori %or3A_285, %ne3A_284 : i1
          %sub3A_287 = arith.constant 2 : i32
          %sub3A_288 = arith.subi %mul3A_222, %sub3A_287 : i32
          %add3A_289 = arith.constant 1 : i32
          %add3A_290 = arith.addi %sub3A_288, %add3A_289 : i32
          %ge3A = arith.cmpi sge, %while3A_212, %add3A_290 : i32
          %not3A = arith.constant true
          %not3A_291 = arith.xori %ge3A, %not3A : i1
          %and3A = arith.andi %or3A_286, %not3A_291 : i1
          %convert_element_type3A_292 = arith.extui %and3A : i1 to i32
          %cond3A_293 = arith.constant 0 : i32
          %cond3A_294 = arith.cmpi ne, %convert_element_type3A_292, %cond3A_293 : i32
          scf.if %cond3A_294 {
            "tpu.trace_start"() <{level = 10 : i32, message = "ep_copy_in"}> : () -> ()
            %rem3A_422 = arith.constant 2 : i32
            %rem3A_423 = arith.remui %while3A_213, %rem3A_422 : i32
            %mul3A_424 = arith.constant 1 : i32
            %mul3A_425 = arith.muli %mul3A_424, %add3A_264 : i32
            %mul3A_426 = arith.constant 1024 : i32
            %mul3A_427 = arith.muli %mul3A_426, %add3A_266 : i32
            %dma_start3A_428 = arith.constant 0 : i32
            %dma_start3A_429 = arith.constant 0 : i32
            %dma_start3A_430 = tpu.memref_slice %run_scoped3A[%rem3A_423, %dma_start3A_428, %dma_start3A_429] : memref<2x1x1024xi32, #tpu.memory_space<vmem>> -> memref<1x1x1024xi32, #tpu.memory_space<vmem>>
            %dma_start3A_431 = tpu.memref_squeeze %dma_start3A_430 : memref<1x1x1024xi32, #tpu.memory_space<vmem>> -> memref<1x1024xi32, #tpu.memory_space<vmem>>
            %dma_start3A_432 = tpu.memref_slice %arg3[%mul3A_425, %mul3A_427] : memref<26x16384xi32, #tpu.memory_space<hbm>> -> memref<1x1024xi32, #tpu.memory_space<hbm>>
            %dma_start3A_433 = tpu.memref_slice %run_scoped3A_19[%rem3A_423] : memref<2x!tpu.dma_semaphore, #tpu.memory_space<semaphore_mem>> -> memref<1x!tpu.dma_semaphore, #tpu.memory_space<semaphore_mem>>
            %dma_start3A_434 = tpu.memref_squeeze %dma_start3A_433 : memref<1x!tpu.dma_semaphore, #tpu.memory_space<semaphore_mem>> -> memref<!tpu.dma_semaphore, #tpu.memory_space<semaphore_mem>>
            %dma_start3A_435 = arith.constant 0 : i32
            %dma_start3A_436 = arith.constant 0 : i32
            %dma_start3A_437 = tpu.memref_slice %run_scoped3A[%rem3A_423, %dma_start3A_435, %dma_start3A_436] : memref<2x1x1024xi32, #tpu.memory_space<vmem>> -> memref<1x1x1024xi32, #tpu.memory_space<vmem>>
            %dma_start3A_438 = tpu.memref_squeeze %dma_start3A_437 : memref<1x1x1024xi32, #tpu.memory_space<vmem>> -> memref<1x1024xi32, #tpu.memory_space<vmem>>
            %dma_start3A_439 = tpu.memref_slice %arg3[%mul3A_425, %mul3A_427] : memref<26x16384xi32, #tpu.memory_space<hbm>> -> memref<1x1024xi32, #tpu.memory_space<hbm>>
            tpu.enqueue_dma source(%dma_start3A_439 : memref<1x1024xi32, #tpu.memory_space<hbm>>) target(%dma_start3A_438 : memref<1x1024xi32, #tpu.memory_space<vmem>>) target_semaphore(%dma_start3A_434 : memref<!tpu.dma_semaphore, #tpu.memory_space<semaphore_mem>>)
            "tpu.trace_stop"() : () -> ()
          } else {
          }
          %and3A_295 = arith.constant true
          %and3A_296 = arith.andi %and3A, %and3A_295 : i1
          %add3A_297 = arith.constant 1 : i32
          %add3A_298 = arith.addi %while3A_213, %add3A_297 : i32
          %select_n3A_299 = arith.select %and3A_296, %add3A_298, %while3A_213 : i32
          %ne3A_300 = arith.cmpi ne, %add3A_230, %add3A_266 : i32
          %ne3A_301 = arith.cmpi ne, %add3A_228, %add3A_264 : i32
          %or3A_302 = arith.constant false
          %or3A_303 = arith.ori %or3A_302, %ne3A_300 : i1
          %or3A_304 = arith.ori %or3A_303, %ne3A_301 : i1
          %or3A_305 = arith.constant false
          %or3A_306 = arith.ori %or3A_304, %or3A_305 : i1
          %sub3A_307 = arith.constant 2 : i32
          %sub3A_308 = arith.subi %mul3A_222, %sub3A_307 : i32
          %add3A_309 = arith.constant 1 : i32
          %add3A_310 = arith.addi %sub3A_308, %add3A_309 : i32
          %ge3A_311 = arith.cmpi sge, %while3A_212, %add3A_310 : i32
          %not3A_312 = arith.constant true
          %not3A_313 = arith.xori %ge3A_311, %not3A_312 : i1
          %and3A_314 = arith.andi %or3A_306, %not3A_313 : i1
          %ne3A_315 = arith.cmpi ne, %add3A_228, %add3A_247 : i32
          %ne3A_316 = arith.cmpi ne, %add3A_230, %add3A_249 : i32
          %or3A_317 = arith.constant false
          %or3A_318 = arith.ori %or3A_317, %ne3A_315 : i1
          %or3A_319 = arith.ori %or3A_318, %ne3A_316 : i1
          %or3A_320 = arith.ori %or3A_319, %eq3A_224 : i1
          %convert_element_type3A_321 = arith.extui %or3A_320 : i1 to i32
          %cond3A_322 = arith.constant 0 : i32
          %cond3A_323 = arith.cmpi ne, %convert_element_type3A_321, %cond3A_322 : i32
          scf.if %cond3A_323 {
            "tpu.trace_start"() <{level = 10 : i32, message = "ep_wait_in"}> : () -> ()
            %mul3A_422 = arith.constant 1 : i32
            %mul3A_423 = arith.muli %mul3A_422, %add3A_228 : i32
            %mul3A_424 = arith.constant 1024 : i32
            %mul3A_425 = arith.muli %mul3A_424, %add3A_230 : i32
            %rem3A_426 = arith.constant 2 : i32
            %rem3A_427 = arith.remui %while3A_214, %rem3A_426 : i32
            %dma_wait3A = arith.constant 0 : i32
            %dma_wait3A_428 = arith.constant 0 : i32
            %dma_wait3A_429 = tpu.memref_slice %run_scoped3A[%rem3A_427, %dma_wait3A, %dma_wait3A_428] : memref<2x1x1024xi32, #tpu.memory_space<vmem>> -> memref<1x1x1024xi32, #tpu.memory_space<vmem>>
            %dma_wait3A_430 = tpu.memref_squeeze %dma_wait3A_429 : memref<1x1x1024xi32, #tpu.memory_space<vmem>> -> memref<1x1024xi32, #tpu.memory_space<vmem>>
            %dma_wait3A_431 = tpu.memref_slice %arg3[%mul3A_423, %mul3A_425] : memref<26x16384xi32, #tpu.memory_space<hbm>> -> memref<1x1024xi32, #tpu.memory_space<hbm>>
            %dma_wait3A_432 = tpu.memref_slice %run_scoped3A_19[%rem3A_427] : memref<2x!tpu.dma_semaphore, #tpu.memory_space<semaphore_mem>> -> memref<1x!tpu.dma_semaphore, #tpu.memory_space<semaphore_mem>>
            %dma_wait3A_433 = tpu.memref_squeeze %dma_wait3A_432 : memref<1x!tpu.dma_semaphore, #tpu.memory_space<semaphore_mem>> -> memref<!tpu.dma_semaphore, #tpu.memory_space<semaphore_mem>>
            %dma_wait3A_434 = arith.constant 0 : i32
            %dma_wait3A_435 = arith.constant 0 : i32
            %dma_wait3A_436 = tpu.memref_slice %run_scoped3A[%rem3A_427, %dma_wait3A_434, %dma_wait3A_435] : memref<2x1x1024xi32, #tpu.memory_space<vmem>> -> memref<1x1x1024xi32, #tpu.memory_space<vmem>>
            %dma_wait3A_437 = tpu.memref_squeeze %dma_wait3A_436 : memref<1x1x1024xi32, #tpu.memory_space<vmem>> -> memref<1x1024xi32, #tpu.memory_space<vmem>>
            %dma_wait3A_438 = tpu.memref_slice %arg3[%mul3A_423, %mul3A_425] : memref<26x16384xi32, #tpu.memory_space<hbm>> -> memref<1x1024xi32, #tpu.memory_space<hbm>>
            tpu.wait_dma2 semaphore(%dma_wait3A_433 : memref<!tpu.dma_semaphore, #tpu.memory_space<semaphore_mem>>) src(%dma_wait3A_438 : memref<1x1024xi32, #tpu.memory_space<hbm>>) dst(%dma_wait3A_437 : memref<1x1024xi32, #tpu.memory_space<vmem>>)
            "tpu.trace_stop"() : () -> ()
          } else {
          }
          %ne3A_324 = arith.cmpi ne, %add3A_230, %add3A_249 : i32
          %ne3A_325 = arith.cmpi ne, %add3A_228, %add3A_247 : i32
          %or3A_326 = arith.constant false
          %or3A_327 = arith.ori %or3A_326, %ne3A_324 : i1
          %or3A_328 = arith.ori %or3A_327, %ne3A_325 : i1
          %or3A_329 = arith.constant false
          %or3A_330 = arith.ori %or3A_328, %or3A_329 : i1
          %or3A_331 = arith.ori %or3A_330, %eq3A_224 : i1
          %convert_element_type3A_332 = arith.extui %or3A_331 : i1 to i32
          %cond3A_333 = arith.constant 0 : i32
          %cond3A_334 = arith.cmpi ne, %convert_element_type3A_332, %cond3A_333 : i32
          scf.if %cond3A_334 {
          } else {
          }
          %rem3A_335 = arith.constant 2 : i32
          %rem3A_336 = arith.remui %while3A_214, %rem3A_335 : i32
          %rem3A_337 = arith.constant 2 : i32
          %rem3A_338 = arith.remui %while3A_215, %rem3A_337 : i32
          %run_scoped3A_339 = arith.constant 0 : i32
          %run_scoped3A_340 = arith.constant 0 : i32
          "tpu.trace_start"() <{level = 10 : i32, message = "ep_run_kernel"}> : () -> ()
          "tpu.region"() ({
            %run_scoped3A_422 = tpu.sem_alloc : memref<!tpu.dma_semaphore, #tpu.memory_space<semaphore_mem>>
            %dma_start3A_423 = arith.constant 0 : i32
            %dma_start3A_424 = arith.constant 0 : i32
            %dma_start3A_425 = arith.constant 0 : i32
            %dma_start3A_426 = tpu.memref_slice %run_scoped3A_20[%rem3A_338, %dma_start3A_423, %dma_start3A_424, %dma_start3A_425] : memref<2x1024x1x32xf32, #tpu.memory_space<vmem>> -> memref<1x1024x1x32xf32, #tpu.memory_space<vmem>>
            %dma_start3A_427 = tpu.memref_squeeze %dma_start3A_426 : memref<1x1024x1x32xf32, #tpu.memory_space<vmem>> -> memref<1024x1x32xf32, #tpu.memory_space<vmem>>
            %dma_start3A_428 = arith.constant 0 : i32
            %dma_start3A_429 = arith.constant 0 : i32
            %dma_start3A_430 = tpu.memref_slice %dma_start3A_427[%dma_start3A_428, %run_scoped3A_340, %dma_start3A_429] : memref<1024x1x32xf32, #tpu.memory_space<vmem>> -> memref<1024x1x32xf32, #tpu.memory_space<vmem>>
            %dma_start3A_431 = tpu.memref_squeeze %dma_start3A_430 : memref<1024x1x32xf32, #tpu.memory_space<vmem>> -> memref<1024x32xf32, #tpu.memory_space<vmem>>
            %dma_start3A_432 = arith.constant 0 : i32
            %dma_start3A_433 = arith.constant 0 : i32
            %dma_start3A_434 = tpu.memref_slice %run_scoped3A[%rem3A_336, %dma_start3A_432, %dma_start3A_433] : memref<2x1x1024xi32, #tpu.memory_space<vmem>> -> memref<1x1x1024xi32, #tpu.memory_space<vmem>>
            %dma_start3A_435 = tpu.memref_squeeze %dma_start3A_434 : memref<1x1x1024xi32, #tpu.memory_space<vmem>> -> memref<1x1024xi32, #tpu.memory_space<vmem>>
            %dma_start3A_436 = arith.constant 0 : i32
            %dma_start3A_437 = tpu.memref_slice %dma_start3A_435[%run_scoped3A_339, %dma_start3A_436] : memref<1x1024xi32, #tpu.memory_space<vmem>> -> memref<1x1024xi32, #tpu.memory_space<vmem>>
            %dma_start3A_438 = tpu.memref_squeeze %dma_start3A_437 : memref<1x1024xi32, #tpu.memory_space<vmem>> -> memref<1024xi32, #tpu.memory_space<vmem>>
            %dma_start3A_439 = arith.constant 0 : i32
            %dma_start3A_440 = arith.constant 0 : i32
            %dma_start3A_441 = tpu.memref_slice %arg2[%dma_start3A_439, %dma_start3A_440] : memref<1000000x32xf32, #tpu.memory_space<hbm>> -> memref<1000000x32xf32, #tpu.memory_space<hbm>>
            tpu.enqueue_indirect_dma source(%dma_start3A_441 : memref<1000000x32xf32, #tpu.memory_space<hbm>>) target(%dma_start3A_431 : memref<1024x32xf32, #tpu.memory_space<vmem>>) offsets(%dma_start3A_438 : memref<1024xi32, #tpu.memory_space<vmem>>) semaphore(%run_scoped3A_422 : memref<!tpu.dma_semaphore, #tpu.memory_space<semaphore_mem>>)
            %dma_wait3A = arith.constant 0 : i32
            %dma_wait3A_442 = arith.constant 0 : i32
            %dma_wait3A_443 = arith.constant 0 : i32
            %dma_wait3A_444 = tpu.memref_slice %run_scoped3A_20[%rem3A_338, %dma_wait3A, %dma_wait3A_442, %dma_wait3A_443] : memref<2x1024x1x32xf32, #tpu.memory_space<vmem>> -> memref<1x1024x1x32xf32, #tpu.memory_space<vmem>>
            %dma_wait3A_445 = tpu.memref_squeeze %dma_wait3A_444 : memref<1x1024x1x32xf32, #tpu.memory_space<vmem>> -> memref<1024x1x32xf32, #tpu.memory_space<vmem>>
            %dma_wait3A_446 = arith.constant 0 : i32
            %dma_wait3A_447 = arith.constant 0 : i32
            %dma_wait3A_448 = tpu.memref_slice %dma_wait3A_445[%dma_wait3A_446, %run_scoped3A_340, %dma_wait3A_447] : memref<1024x1x32xf32, #tpu.memory_space<vmem>> -> memref<1024x1x32xf32, #tpu.memory_space<vmem>>
            %dma_wait3A_449 = tpu.memref_squeeze %dma_wait3A_448 : memref<1024x1x32xf32, #tpu.memory_space<vmem>> -> memref<1024x32xf32, #tpu.memory_space<vmem>>
            %dma_wait3A_450 = arith.constant 0 : i32
            %dma_wait3A_451 = arith.constant 0 : i32
            %dma_wait3A_452 = tpu.memref_slice %run_scoped3A[%rem3A_336, %dma_wait3A_450, %dma_wait3A_451] : memref<2x1x1024xi32, #tpu.memory_space<vmem>> -> memref<1x1x1024xi32, #tpu.memory_space<vmem>>
            %dma_wait3A_453 = tpu.memref_squeeze %dma_wait3A_452 : memref<1x1x1024xi32, #tpu.memory_space<vmem>> -> memref<1x1024xi32, #tpu.memory_space<vmem>>
            %dma_wait3A_454 = arith.constant 0 : i32
            %dma_wait3A_455 = tpu.memref_slice %dma_wait3A_453[%run_scoped3A_339, %dma_wait3A_454] : memref<1x1024xi32, #tpu.memory_space<vmem>> -> memref<1x1024xi32, #tpu.memory_space<vmem>>
            %dma_wait3A_456 = tpu.memref_squeeze %dma_wait3A_455 : memref<1x1024xi32, #tpu.memory_space<vmem>> -> memref<1024xi32, #tpu.memory_space<vmem>>
            %dma_wait3A_457 = arith.constant 0 : i32
            %dma_wait3A_458 = arith.constant 0 : i32
            %dma_wait3A_459 = tpu.memref_slice %arg2[%dma_wait3A_457, %dma_wait3A_458] : memref<1000000x32xf32, #tpu.memory_space<hbm>> -> memref<1000000x32xf32, #tpu.memory_space<hbm>>
            tpu.wait_indirect_dma semaphore(%run_scoped3A_422 : memref<!tpu.dma_semaphore, #tpu.memory_space<semaphore_mem>>) src(%dma_wait3A_459 : memref<1000000x32xf32, #tpu.memory_space<hbm>>) dst(%dma_wait3A_449 : memref<1024x32xf32, #tpu.memory_space<vmem>>)
            tpu.yield
          }) : () -> ()
          "tpu.trace_stop"() : () -> ()
          %ne3A_341 = arith.cmpi ne, %add3A_228, %add3A_264 : i32
          %ne3A_342 = arith.cmpi ne, %add3A_230, %add3A_266 : i32
          %or3A_343 = arith.constant false
          %or3A_344 = arith.ori %or3A_343, %ne3A_341 : i1
          %or3A_345 = arith.ori %or3A_344, %ne3A_342 : i1
          %or3A_346 = arith.ori %or3A_345, %eq3A_227 : i1
          %convert_element_type3A_347 = arith.extui %or3A_346 : i1 to i32
          %cond3A_348 = arith.constant 0 : i32
          %cond3A_349 = arith.cmpi ne, %convert_element_type3A_347, %cond3A_348 : i32
          scf.if %cond3A_349 {
          } else {
          }
          %and3A_350 = arith.constant false
          %and3A_351 = arith.andi %or3A_346, %and3A_350 : i1
          %ne3A_352 = arith.cmpi ne, %add3A_230, %add3A_266 : i32
          %ne3A_353 = arith.cmpi ne, %add3A_228, %add3A_264 : i32
          %or3A_354 = arith.constant false
          %or3A_355 = arith.ori %or3A_354, %ne3A_352 : i1
          %or3A_356 = arith.ori %or3A_355, %ne3A_353 : i1
          %or3A_357 = arith.constant false
          %or3A_358 = arith.ori %or3A_356, %or3A_357 : i1
          %or3A_359 = arith.ori %or3A_358, %eq3A_227 : i1
          %convert_element_type3A_360 = arith.extui %or3A_359 : i1 to i32
          %cond3A_361 = arith.constant 0 : i32
          %cond3A_362 = arith.cmpi ne, %convert_element_type3A_360, %cond3A_361 : i32
          scf.if %cond3A_362 {
            "tpu.trace_start"() <{level = 10 : i32, message = "ep_copy_out"}> : () -> ()
            %rem3A_422 = arith.constant 2 : i32
            %rem3A_423 = arith.remui %while3A_215, %rem3A_422 : i32
            %mul3A_424 = arith.constant 1024 : i32
            %mul3A_425 = arith.muli %mul3A_424, %add3A_230 : i32
            %mul3A_426 = arith.constant 1 : i32
            %mul3A_427 = arith.muli %mul3A_426, %add3A_228 : i32
            %dma_start3A_428 = arith.constant 0 : i32
            %dma_start3A_429 = arith.constant 0 : i32
            %dma_start3A_430 = arith.constant 0 : i32
            %dma_start3A_431 = tpu.memref_slice %run_scoped3A_20[%rem3A_423, %dma_start3A_428, %dma_start3A_429, %dma_start3A_430] : memref<2x1024x1x32xf32, #tpu.memory_space<vmem>> -> memref<1x1024x1x32xf32, #tpu.memory_space<vmem>>
            %dma_start3A_432 = tpu.memref_squeeze %dma_start3A_431 : memref<1x1024x1x32xf32, #tpu.memory_space<vmem>> -> memref<1024x1x32xf32, #tpu.memory_space<vmem>>
            %dma_start3A_433 = arith.constant 0 : i32
            %dma_start3A_434 = tpu.memref_slice %arg4[%mul3A_425, %mul3A_427, %dma_start3A_433] : memref<16384x26x32xf32, #tpu.memory_space<hbm>> -> memref<1024x1x32xf32, #tpu.memory_space<hbm>>
            %dma_start3A_435 = tpu.memref_slice %run_scoped3A_21[%rem3A_423] : memref<2x!tpu.dma_semaphore, #tpu.memory_space<semaphore_mem>> -> memref<1x!tpu.dma_semaphore, #tpu.memory_space<semaphore_mem>>
            %dma_start3A_436 = tpu.memref_squeeze %dma_start3A_435 : memref<1x!tpu.dma_semaphore, #tpu.memory_space<semaphore_mem>> -> memref<!tpu.dma_semaphore, #tpu.memory_space<semaphore_mem>>
            %dma_start3A_437 = arith.constant 0 : i32
            %dma_start3A_438 = tpu.memref_slice %arg4[%mul3A_425, %mul3A_427, %dma_start3A_437] : memref<16384x26x32xf32, #tpu.memory_space<hbm>> -> memref<1024x1x32xf32, #tpu.memory_space<hbm>>
            %dma_start3A_439 = arith.constant 0 : i32
            %dma_start3A_440 = arith.constant 0 : i32
            %dma_start3A_441 = arith.constant 0 : i32
            %dma_start3A_442 = tpu.memref_slice %run_scoped3A_20[%rem3A_423, %dma_start3A_439, %dma_start3A_440, %dma_start3A_441] : memref<2x1024x1x32xf32, #tpu.memory_space<vmem>> -> memref<1x1024x1x32xf32, #tpu.memory_space<vmem>>
            %dma_start3A_443 = tpu.memref_squeeze %dma_start3A_442 : memref<1x1024x1x32xf32, #tpu.memory_space<vmem>> -> memref<1024x1x32xf32, #tpu.memory_space<vmem>>
            tpu.enqueue_dma source(%dma_start3A_443 : memref<1024x1x32xf32, #tpu.memory_space<vmem>>) target(%dma_start3A_438 : memref<1024x1x32xf32, #tpu.memory_space<hbm>>) target_semaphore(%dma_start3A_436 : memref<!tpu.dma_semaphore, #tpu.memory_space<semaphore_mem>>)
            "tpu.trace_stop"() : () -> ()
          } else {
          }
          %and3A_363 = arith.constant true
          %and3A_364 = arith.andi %or3A_359, %and3A_363 : i1
          %add3A_365 = arith.constant 1 : i32
          %add3A_366 = arith.addi %while3A_215, %add3A_365 : i32
          %select_n3A_367 = arith.select %and3A_364, %add3A_366, %while3A_215 : i32
          %ne3A_368 = arith.cmpi ne, %add3A_228, %add3A_247 : i32
          %ne3A_369 = arith.cmpi ne, %add3A_230, %add3A_249 : i32
          %or3A_370 = arith.constant false
          %or3A_371 = arith.ori %or3A_370, %ne3A_368 : i1
          %or3A_372 = arith.ori %or3A_371, %ne3A_369 : i1
          %not3A_373 = arith.constant true
          %not3A_374 = arith.xori %eq3A_224, %not3A_373 : i1
          %and3A_375 = arith.andi %or3A_372, %not3A_374 : i1
          %convert_element_type3A_376 = arith.extui %and3A_375 : i1 to i32
          %cond3A_377 = arith.constant 0 : i32
          %cond3A_378 = arith.cmpi ne, %convert_element_type3A_376, %cond3A_377 : i32
          scf.if %cond3A_378 {
          } else {
          }
          %and3A_379 = arith.constant false
          %and3A_380 = arith.andi %and3A_375, %and3A_379 : i1
          %ne3A_381 = arith.cmpi ne, %add3A_230, %add3A_249 : i32
          %ne3A_382 = arith.cmpi ne, %add3A_228, %add3A_247 : i32
          %or3A_383 = arith.constant false
          %or3A_384 = arith.ori %or3A_383, %ne3A_381 : i1
          %or3A_385 = arith.ori %or3A_384, %ne3A_382 : i1
          %or3A_386 = arith.constant false
          %or3A_387 = arith.ori %or3A_385, %or3A_386 : i1
          %not3A_388 = arith.constant true
          %not3A_389 = arith.xori %eq3A_224, %not3A_388 : i1
          %and3A_390 = arith.andi %or3A_387, %not3A_389 : i1
          %convert_element_type3A_391 = arith.extui %and3A_390 : i1 to i32
          %cond3A_392 = arith.constant 0 : i32
          %cond3A_393 = arith.cmpi ne, %convert_element_type3A_391, %cond3A_392 : i32
          scf.if %cond3A_393 {
            "tpu.trace_start"() <{level = 10 : i32, message = "ep_wait_out"}> : () -> ()
            %rem3A_422 = arith.constant 2 : i32
            %rem3A_423 = arith.remui %while3A_216, %rem3A_422 : i32
            %mul3A_424 = arith.constant 1024 : i32
            %mul3A_425 = arith.muli %mul3A_424, %add3A_249 : i32
            %mul3A_426 = arith.constant 1 : i32
            %mul3A_427 = arith.muli %mul3A_426, %add3A_247 : i32
            %dma_wait3A = arith.constant 0 : i32
            %dma_wait3A_428 = arith.constant 0 : i32
            %dma_wait3A_429 = arith.constant 0 : i32
            %dma_wait3A_430 = tpu.memref_slice %run_scoped3A_20[%rem3A_423, %dma_wait3A, %dma_wait3A_428, %dma_wait3A_429] : memref<2x1024x1x32xf32, #tpu.memory_space<vmem>> -> memref<1x1024x1x32xf32, #tpu.memory_space<vmem>>
            %dma_wait3A_431 = tpu.memref_squeeze %dma_wait3A_430 : memref<1x1024x1x32xf32, #tpu.memory_space<vmem>> -> memref<1024x1x32xf32, #tpu.memory_space<vmem>>
            %dma_wait3A_432 = arith.constant 0 : i32
            %dma_wait3A_433 = tpu.memref_slice %arg4[%mul3A_425, %mul3A_427, %dma_wait3A_432] : memref<16384x26x32xf32, #tpu.memory_space<hbm>> -> memref<1024x1x32xf32, #tpu.memory_space<hbm>>
            %dma_wait3A_434 = tpu.memref_slice %run_scoped3A_21[%rem3A_423] : memref<2x!tpu.dma_semaphore, #tpu.memory_space<semaphore_mem>> -> memref<1x!tpu.dma_semaphore, #tpu.memory_space<semaphore_mem>>
            %dma_wait3A_435 = tpu.memref_squeeze %dma_wait3A_434 : memref<1x!tpu.dma_semaphore, #tpu.memory_space<semaphore_mem>> -> memref<!tpu.dma_semaphore, #tpu.memory_space<semaphore_mem>>
            %dma_wait3A_436 = arith.constant 0 : i32
            %dma_wait3A_437 = tpu.memref_slice %arg4[%mul3A_425, %mul3A_427, %dma_wait3A_436] : memref<16384x26x32xf32, #tpu.memory_space<hbm>> -> memref<1024x1x32xf32, #tpu.memory_space<hbm>>
            %dma_wait3A_438 = arith.constant 0 : i32
            %dma_wait3A_439 = arith.constant 0 : i32
            %dma_wait3A_440 = arith.constant 0 : i32
            %dma_wait3A_441 = tpu.memref_slice %run_scoped3A_20[%rem3A_423, %dma_wait3A_438, %dma_wait3A_439, %dma_wait3A_440] : memref<2x1024x1x32xf32, #tpu.memory_space<vmem>> -> memref<1x1024x1x32xf32, #tpu.memory_space<vmem>>
            %dma_wait3A_442 = tpu.memref_squeeze %dma_wait3A_441 : memref<1x1024x1x32xf32, #tpu.memory_space<vmem>> -> memref<1024x1x32xf32, #tpu.memory_space<vmem>>
            tpu.wait_dma2 semaphore(%dma_wait3A_435 : memref<!tpu.dma_semaphore, #tpu.memory_space<semaphore_mem>>) src(%dma_wait3A_442 : memref<1024x1x32xf32, #tpu.memory_space<vmem>>) dst(%dma_wait3A_437 : memref<1024x1x32xf32, #tpu.memory_space<hbm>>)
            "tpu.trace_stop"() : () -> ()
          } else {
          }
          %and3A_394 = arith.constant true
          %and3A_395 = arith.andi %and3A_390, %and3A_394 : i1
          %add3A_396 = arith.constant 1 : i32
          %add3A_397 = arith.addi %while3A_216, %add3A_396 : i32
          %select_n3A_398 = arith.select %and3A_395, %add3A_397, %while3A_216 : i32
          %ne3A_399 = arith.cmpi ne, %add3A_228, %add3A_264 : i32
          %ne3A_400 = arith.cmpi ne, %add3A_230, %add3A_266 : i32
          %or3A_401 = arith.constant false
          %or3A_402 = arith.ori %or3A_401, %ne3A_399 : i1
          %or3A_403 = arith.ori %or3A_402, %ne3A_400 : i1
          %or3A_404 = arith.ori %or3A_403, %eq3A_227 : i1
          %add3A_405 = arith.constant 1 : i32
          %add3A_406 = arith.addi %while3A_214, %add3A_405 : i32
          %select_n3A_407 = arith.select %or3A_404, %add3A_406, %while3A_214 : i32
          %add3A_408 = arith.constant 1 : i32
          %add3A_409 = arith.addi %while3A_218, %add3A_408 : i32
          %select_n3A_410 = arith.constant true
          %select_n3A_411 = arith.select %select_n3A_410, %add3A_409, %while3A_218 : i32
          %eq3A_412 = arith.constant 16 : i32
          %eq3A_413 = arith.cmpi eq, %select_n3A_411, %eq3A_412 : i32
          %select_n3A_414 = arith.constant 0 : i32
          %select_n3A_415 = arith.select %eq3A_413, %select_n3A_414, %select_n3A_411 : i32
          %add3A_416 = arith.constant 1 : i32
          %add3A_417 = arith.addi %while3A_217, %add3A_416 : i32
          %select_n3A_418 = arith.select %eq3A_413, %add3A_417, %while3A_217 : i32
          %eq3A_419 = arith.cmpi eq, %select_n3A_418, %select_n3A : i32
          %select_n3A_420 = arith.constant 0 : i32
          %select_n3A_421 = arith.select %eq3A_419, %select_n3A_420, %select_n3A_418 : i32
          scf.yield %select_n3A_299, %select_n3A_407, %select_n3A_367, %select_n3A_398, %select_n3A_421, %select_n3A_415 : i32, i32, i32, i32, i32, i32
        }
        %while3A_121 = arith.constant 1 : i32
        %while3A_122:6 = scf.for %while3A_212 = %while3A_118 to %while3A_114 step %while3A_121 iter_args(%while3A_213 = %while3A_120#0, %while3A_214 = %while3A_120#1, %while3A_215 = %while3A_120#2, %while3A_216 = %while3A_120#3, %while3A_217 = %while3A_120#4, %while3A_218 = %while3A_120#5) -> (i32, i32, i32, i32, i32, i32)  : i32 {
          %mul3A_219 = arith.constant 1 : i32
          %mul3A_220 = arith.muli %mul3A_219, %select_n3A : i32
          %mul3A_221 = arith.constant 16 : i32
          %mul3A_222 = arith.muli %mul3A_220, %mul3A_221 : i32
          %eq3A_223 = arith.constant 0 : i32
          %eq3A_224 = arith.cmpi eq, %while3A_212, %eq3A_223 : i32
          %sub3A_225 = arith.constant 1 : i32
          %sub3A_226 = arith.subi %mul3A_222, %sub3A_225 : i32
          %eq3A_227 = arith.cmpi eq, %while3A_212, %sub3A_226 : i32
          %add3A_228 = arith.addi %while3A_217, %select_n3A_14 : i32
          %add3A_229 = arith.constant 0 : i32
          %add3A_230 = arith.addi %while3A_218, %add3A_229 : i32
          %sub3A_231 = arith.constant 1 : i32
          %sub3A_232 = arith.subi %while3A_218, %sub3A_231 : i32
          %select_n3A_233 = arith.constant true
          %select_n3A_234 = arith.select %select_n3A_233, %sub3A_232, %while3A_218 : i32
          %eq3A_235 = arith.constant -1 : i32
          %eq3A_236 = arith.cmpi eq, %select_n3A_234, %eq3A_235 : i32
          %select_n3A_237 = arith.constant 15 : i32
          %select_n3A_238 = arith.select %eq3A_236, %select_n3A_237, %select_n3A_234 : i32
          %sub3A_239 = arith.constant 1 : i32
          %sub3A_240 = arith.subi %while3A_217, %sub3A_239 : i32
          %select_n3A_241 = arith.select %eq3A_236, %sub3A_240, %while3A_217 : i32
          %eq3A_242 = arith.constant -1 : i32
          %eq3A_243 = arith.cmpi eq, %select_n3A_241, %eq3A_242 : i32
          %sub3A_244 = arith.constant 1 : i32
          %sub3A_245 = arith.subi %select_n3A, %sub3A_244 : i32
          %select_n3A_246 = arith.select %eq3A_243, %sub3A_245, %select_n3A_241 : i32
          %add3A_247 = arith.addi %select_n3A_246, %select_n3A_14 : i32
          %add3A_248 = arith.constant 0 : i32
          %add3A_249 = arith.addi %select_n3A_238, %add3A_248 : i32
          %add3A_250 = arith.constant 1 : i32
          %add3A_251 = arith.addi %while3A_218, %add3A_250 : i32
          %select_n3A_252 = arith.constant true
          %select_n3A_253 = arith.select %select_n3A_252, %add3A_251, %while3A_218 : i32
          %eq3A_254 = arith.constant 16 : i32
          %eq3A_255 = arith.cmpi eq, %select_n3A_253, %eq3A_254 : i32
          %select_n3A_256 = arith.constant 0 : i32
          %select_n3A_257 = arith.select %eq3A_255, %select_n3A_256, %select_n3A_253 : i32
          %add3A_258 = arith.constant 1 : i32
          %add3A_259 = arith.addi %while3A_217, %add3A_258 : i32
          %select_n3A_260 = arith.select %eq3A_255, %add3A_259, %while3A_217 : i32
          %eq3A_261 = arith.cmpi eq, %select_n3A_260, %select_n3A : i32
          %select_n3A_262 = arith.constant 0 : i32
          %select_n3A_263 = arith.select %eq3A_261, %select_n3A_262, %select_n3A_260 : i32
          %add3A_264 = arith.addi %select_n3A_263, %select_n3A_14 : i32
          %add3A_265 = arith.constant 0 : i32
          %add3A_266 = arith.addi %select_n3A_257, %add3A_265 : i32
          %add3A_267 = arith.constant 1 : i32
          %add3A_268 = arith.addi %select_n3A_257, %add3A_267 : i32
          %select_n3A_269 = arith.constant true
          %select_n3A_270 = arith.select %select_n3A_269, %add3A_268, %select_n3A_257 : i32
          %eq3A_271 = arith.constant 16 : i32
          %eq3A_272 = arith.cmpi eq, %select_n3A_270, %eq3A_271 : i32
          %select_n3A_273 = arith.constant 0 : i32
          %select_n3A_274 = arith.select %eq3A_272, %select_n3A_273, %select_n3A_270 : i32
          %add3A_275 = arith.constant 1 : i32
          %add3A_276 = arith.addi %select_n3A_263, %add3A_275 : i32
          %select_n3A_277 = arith.select %eq3A_272, %add3A_276, %select_n3A_263 : i32
          %eq3A_278 = arith.cmpi eq, %select_n3A_277, %select_n3A : i32
          %select_n3A_279 = arith.constant 0 : i32
          %select_n3A_280 = arith.select %eq3A_278, %select_n3A_279, %select_n3A_277 : i32
          %add3A_281 = arith.addi %select_n3A_280, %select_n3A_14 : i32
          %add3A_282 = arith.constant 0 : i32
          %add3A_283 = arith.addi %select_n3A_274, %add3A_282 : i32
          %ne3A = arith.cmpi ne, %add3A_228, %add3A_264 : i32
          %ne3A_284 = arith.cmpi ne, %add3A_230, %add3A_266 : i32
          %or3A = arith.constant false
          %or3A_285 = arith.ori %or3A, %ne3A : i1
          %or3A_286 = arith.ori %or3A_285, %ne3A_284 : i1
          %sub3A_287 = arith.constant 2 : i32
          %sub3A_288 = arith.subi %mul3A_222, %sub3A_287 : i32
          %add3A_289 = arith.constant 1 : i32
          %add3A_290 = arith.addi %sub3A_288, %add3A_289 : i32
          %ge3A = arith.cmpi sge, %while3A_212, %add3A_290 : i32
          %not3A = arith.constant true
          %not3A_291 = arith.xori %ge3A, %not3A : i1
          %and3A = arith.andi %or3A_286, %not3A_291 : i1
          %convert_element_type3A_292 = arith.extui %and3A : i1 to i32
          %cond3A_293 = arith.constant 0 : i32
          %cond3A_294 = arith.cmpi ne, %convert_element_type3A_292, %cond3A_293 : i32
          scf.if %cond3A_294 {
            "tpu.trace_start"() <{level = 10 : i32, message = "ep_copy_in"}> : () -> ()
            %rem3A_422 = arith.constant 2 : i32
            %rem3A_423 = arith.remui %while3A_213, %rem3A_422 : i32
            %mul3A_424 = arith.constant 1 : i32
            %mul3A_425 = arith.muli %mul3A_424, %add3A_264 : i32
            %mul3A_426 = arith.constant 1024 : i32
            %mul3A_427 = arith.muli %mul3A_426, %add3A_266 : i32
            %dma_start3A_428 = arith.constant 0 : i32
            %dma_start3A_429 = arith.constant 0 : i32
            %dma_start3A_430 = tpu.memref_slice %run_scoped3A[%rem3A_423, %dma_start3A_428, %dma_start3A_429] : memref<2x1x1024xi32, #tpu.memory_space<vmem>> -> memref<1x1x1024xi32, #tpu.memory_space<vmem>>
            %dma_start3A_431 = tpu.memref_squeeze %dma_start3A_430 : memref<1x1x1024xi32, #tpu.memory_space<vmem>> -> memref<1x1024xi32, #tpu.memory_space<vmem>>
            %dma_start3A_432 = tpu.memref_slice %arg3[%mul3A_425, %mul3A_427] : memref<26x16384xi32, #tpu.memory_space<hbm>> -> memref<1x1024xi32, #tpu.memory_space<hbm>>
            %dma_start3A_433 = tpu.memref_slice %run_scoped3A_19[%rem3A_423] : memref<2x!tpu.dma_semaphore, #tpu.memory_space<semaphore_mem>> -> memref<1x!tpu.dma_semaphore, #tpu.memory_space<semaphore_mem>>
            %dma_start3A_434 = tpu.memref_squeeze %dma_start3A_433 : memref<1x!tpu.dma_semaphore, #tpu.memory_space<semaphore_mem>> -> memref<!tpu.dma_semaphore, #tpu.memory_space<semaphore_mem>>
            %dma_start3A_435 = arith.constant 0 : i32
            %dma_start3A_436 = arith.constant 0 : i32
            %dma_start3A_437 = tpu.memref_slice %run_scoped3A[%rem3A_423, %dma_start3A_435, %dma_start3A_436] : memref<2x1x1024xi32, #tpu.memory_space<vmem>> -> memref<1x1x1024xi32, #tpu.memory_space<vmem>>
            %dma_start3A_438 = tpu.memref_squeeze %dma_start3A_437 : memref<1x1x1024xi32, #tpu.memory_space<vmem>> -> memref<1x1024xi32, #tpu.memory_space<vmem>>
            %dma_start3A_439 = tpu.memref_slice %arg3[%mul3A_425, %mul3A_427] : memref<26x16384xi32, #tpu.memory_space<hbm>> -> memref<1x1024xi32, #tpu.memory_space<hbm>>
            tpu.enqueue_dma source(%dma_start3A_439 : memref<1x1024xi32, #tpu.memory_space<hbm>>) target(%dma_start3A_438 : memref<1x1024xi32, #tpu.memory_space<vmem>>) target_semaphore(%dma_start3A_434 : memref<!tpu.dma_semaphore, #tpu.memory_space<semaphore_mem>>)
            "tpu.trace_stop"() : () -> ()
          } else {
          }
          %and3A_295 = arith.constant true
          %and3A_296 = arith.andi %and3A, %and3A_295 : i1
          %add3A_297 = arith.constant 1 : i32
          %add3A_298 = arith.addi %while3A_213, %add3A_297 : i32
          %select_n3A_299 = arith.select %and3A_296, %add3A_298, %while3A_213 : i32
          %ne3A_300 = arith.cmpi ne, %add3A_230, %add3A_266 : i32
          %ne3A_301 = arith.cmpi ne, %add3A_228, %add3A_264 : i32
          %or3A_302 = arith.constant false
          %or3A_303 = arith.ori %or3A_302, %ne3A_300 : i1
          %or3A_304 = arith.ori %or3A_303, %ne3A_301 : i1
          %or3A_305 = arith.constant false
          %or3A_306 = arith.ori %or3A_304, %or3A_305 : i1
          %sub3A_307 = arith.constant 2 : i32
          %sub3A_308 = arith.subi %mul3A_222, %sub3A_307 : i32
          %add3A_309 = arith.constant 1 : i32
          %add3A_310 = arith.addi %sub3A_308, %add3A_309 : i32
          %ge3A_311 = arith.cmpi sge, %while3A_212, %add3A_310 : i32
          %not3A_312 = arith.constant true
          %not3A_313 = arith.xori %ge3A_311, %not3A_312 : i1
          %and3A_314 = arith.andi %or3A_306, %not3A_313 : i1
          %ne3A_315 = arith.cmpi ne, %add3A_228, %add3A_247 : i32
          %ne3A_316 = arith.cmpi ne, %add3A_230, %add3A_249 : i32
          %or3A_317 = arith.constant false
          %or3A_318 = arith.ori %or3A_317, %ne3A_315 : i1
          %or3A_319 = arith.ori %or3A_318, %ne3A_316 : i1
          %or3A_320 = arith.ori %or3A_319, %eq3A_224 : i1
          %convert_element_type3A_321 = arith.extui %or3A_320 : i1 to i32
          %cond3A_322 = arith.constant 0 : i32
          %cond3A_323 = arith.cmpi ne, %convert_element_type3A_321, %cond3A_322 : i32
          scf.if %cond3A_323 {
            "tpu.trace_start"() <{level = 10 : i32, message = "ep_wait_in"}> : () -> ()
            %mul3A_422 = arith.constant 1 : i32
            %mul3A_423 = arith.muli %mul3A_422, %add3A_228 : i32
            %mul3A_424 = arith.constant 1024 : i32
            %mul3A_425 = arith.muli %mul3A_424, %add3A_230 : i32
            %rem3A_426 = arith.constant 2 : i32
            %rem3A_427 = arith.remui %while3A_214, %rem3A_426 : i32
            %dma_wait3A = arith.constant 0 : i32
            %dma_wait3A_428 = arith.constant 0 : i32
            %dma_wait3A_429 = tpu.memref_slice %run_scoped3A[%rem3A_427, %dma_wait3A, %dma_wait3A_428] : memref<2x1x1024xi32, #tpu.memory_space<vmem>> -> memref<1x1x1024xi32, #tpu.memory_space<vmem>>
            %dma_wait3A_430 = tpu.memref_squeeze %dma_wait3A_429 : memref<1x1x1024xi32, #tpu.memory_space<vmem>> -> memref<1x1024xi32, #tpu.memory_space<vmem>>
            %dma_wait3A_431 = tpu.memref_slice %arg3[%mul3A_423, %mul3A_425] : memref<26x16384xi32, #tpu.memory_space<hbm>> -> memref<1x1024xi32, #tpu.memory_space<hbm>>
            %dma_wait3A_432 = tpu.memref_slice %run_scoped3A_19[%rem3A_427] : memref<2x!tpu.dma_semaphore, #tpu.memory_space<semaphore_mem>> -> memref<1x!tpu.dma_semaphore, #tpu.memory_space<semaphore_mem>>
            %dma_wait3A_433 = tpu.memref_squeeze %dma_wait3A_432 : memref<1x!tpu.dma_semaphore, #tpu.memory_space<semaphore_mem>> -> memref<!tpu.dma_semaphore, #tpu.memory_space<semaphore_mem>>
            %dma_wait3A_434 = arith.constant 0 : i32
            %dma_wait3A_435 = arith.constant 0 : i32
            %dma_wait3A_436 = tpu.memref_slice %run_scoped3A[%rem3A_427, %dma_wait3A_434, %dma_wait3A_435] : memref<2x1x1024xi32, #tpu.memory_space<vmem>> -> memref<1x1x1024xi32, #tpu.memory_space<vmem>>
            %dma_wait3A_437 = tpu.memref_squeeze %dma_wait3A_436 : memref<1x1x1024xi32, #tpu.memory_space<vmem>> -> memref<1x1024xi32, #tpu.memory_space<vmem>>
            %dma_wait3A_438 = tpu.memref_slice %arg3[%mul3A_423, %mul3A_425] : memref<26x16384xi32, #tpu.memory_space<hbm>> -> memref<1x1024xi32, #tpu.memory_space<hbm>>
            tpu.wait_dma2 semaphore(%dma_wait3A_433 : memref<!tpu.dma_semaphore, #tpu.memory_space<semaphore_mem>>) src(%dma_wait3A_438 : memref<1x1024xi32, #tpu.memory_space<hbm>>) dst(%dma_wait3A_437 : memref<1x1024xi32, #tpu.memory_space<vmem>>)
            "tpu.trace_stop"() : () -> ()
          } else {
          }
          %ne3A_324 = arith.cmpi ne, %add3A_230, %add3A_249 : i32
          %ne3A_325 = arith.cmpi ne, %add3A_228, %add3A_247 : i32
          %or3A_326 = arith.constant false
          %or3A_327 = arith.ori %or3A_326, %ne3A_324 : i1
          %or3A_328 = arith.ori %or3A_327, %ne3A_325 : i1
          %or3A_329 = arith.constant false
          %or3A_330 = arith.ori %or3A_328, %or3A_329 : i1
          %or3A_331 = arith.ori %or3A_330, %eq3A_224 : i1
          %convert_element_type3A_332 = arith.extui %or3A_331 : i1 to i32
          %cond3A_333 = arith.constant 0 : i32
          %cond3A_334 = arith.cmpi ne, %convert_element_type3A_332, %cond3A_333 : i32
          scf.if %cond3A_334 {
          } else {
          }
          %rem3A_335 = arith.constant 2 : i32
          %rem3A_336 = arith.remui %while3A_214, %rem3A_335 : i32
          %rem3A_337 = arith.constant 2 : i32
          %rem3A_338 = arith.remui %while3A_215, %rem3A_337 : i32
          %run_scoped3A_339 = arith.constant 0 : i32
          %run_scoped3A_340 = arith.constant 0 : i32
          "tpu.trace_start"() <{level = 10 : i32, message = "ep_run_kernel"}> : () -> ()
          "tpu.region"() ({
            %run_scoped3A_422 = tpu.sem_alloc : memref<!tpu.dma_semaphore, #tpu.memory_space<semaphore_mem>>
            %dma_start3A_423 = arith.constant 0 : i32
            %dma_start3A_424 = arith.constant 0 : i32
            %dma_start3A_425 = arith.constant 0 : i32
            %dma_start3A_426 = tpu.memref_slice %run_scoped3A_20[%rem3A_338, %dma_start3A_423, %dma_start3A_424, %dma_start3A_425] : memref<2x1024x1x32xf32, #tpu.memory_space<vmem>> -> memref<1x1024x1x32xf32, #tpu.memory_space<vmem>>
            %dma_start3A_427 = tpu.memref_squeeze %dma_start3A_426 : memref<1x1024x1x32xf32, #tpu.memory_space<vmem>> -> memref<1024x1x32xf32, #tpu.memory_space<vmem>>
            %dma_start3A_428 = arith.constant 0 : i32
            %dma_start3A_429 = arith.constant 0 : i32
            %dma_start3A_430 = tpu.memref_slice %dma_start3A_427[%dma_start3A_428, %run_scoped3A_340, %dma_start3A_429] : memref<1024x1x32xf32, #tpu.memory_space<vmem>> -> memref<1024x1x32xf32, #tpu.memory_space<vmem>>
            %dma_start3A_431 = tpu.memref_squeeze %dma_start3A_430 : memref<1024x1x32xf32, #tpu.memory_space<vmem>> -> memref<1024x32xf32, #tpu.memory_space<vmem>>
            %dma_start3A_432 = arith.constant 0 : i32
            %dma_start3A_433 = arith.constant 0 : i32
            %dma_start3A_434 = tpu.memref_slice %run_scoped3A[%rem3A_336, %dma_start3A_432, %dma_start3A_433] : memref<2x1x1024xi32, #tpu.memory_space<vmem>> -> memref<1x1x1024xi32, #tpu.memory_space<vmem>>
            %dma_start3A_435 = tpu.memref_squeeze %dma_start3A_434 : memref<1x1x1024xi32, #tpu.memory_space<vmem>> -> memref<1x1024xi32, #tpu.memory_space<vmem>>
            %dma_start3A_436 = arith.constant 0 : i32
            %dma_start3A_437 = tpu.memref_slice %dma_start3A_435[%run_scoped3A_339, %dma_start3A_436] : memref<1x1024xi32, #tpu.memory_space<vmem>> -> memref<1x1024xi32, #tpu.memory_space<vmem>>
            %dma_start3A_438 = tpu.memref_squeeze %dma_start3A_437 : memref<1x1024xi32, #tpu.memory_space<vmem>> -> memref<1024xi32, #tpu.memory_space<vmem>>
            %dma_start3A_439 = arith.constant 0 : i32
            %dma_start3A_440 = arith.constant 0 : i32
            %dma_start3A_441 = tpu.memref_slice %arg2[%dma_start3A_439, %dma_start3A_440] : memref<1000000x32xf32, #tpu.memory_space<hbm>> -> memref<1000000x32xf32, #tpu.memory_space<hbm>>
            tpu.enqueue_indirect_dma source(%dma_start3A_441 : memref<1000000x32xf32, #tpu.memory_space<hbm>>) target(%dma_start3A_431 : memref<1024x32xf32, #tpu.memory_space<vmem>>) offsets(%dma_start3A_438 : memref<1024xi32, #tpu.memory_space<vmem>>) semaphore(%run_scoped3A_422 : memref<!tpu.dma_semaphore, #tpu.memory_space<semaphore_mem>>)
            %dma_wait3A = arith.constant 0 : i32
            %dma_wait3A_442 = arith.constant 0 : i32
            %dma_wait3A_443 = arith.constant 0 : i32
            %dma_wait3A_444 = tpu.memref_slice %run_scoped3A_20[%rem3A_338, %dma_wait3A, %dma_wait3A_442, %dma_wait3A_443] : memref<2x1024x1x32xf32, #tpu.memory_space<vmem>> -> memref<1x1024x1x32xf32, #tpu.memory_space<vmem>>
            %dma_wait3A_445 = tpu.memref_squeeze %dma_wait3A_444 : memref<1x1024x1x32xf32, #tpu.memory_space<vmem>> -> memref<1024x1x32xf32, #tpu.memory_space<vmem>>
            %dma_wait3A_446 = arith.constant 0 : i32
            %dma_wait3A_447 = arith.constant 0 : i32
            %dma_wait3A_448 = tpu.memref_slice %dma_wait3A_445[%dma_wait3A_446, %run_scoped3A_340, %dma_wait3A_447] : memref<1024x1x32xf32, #tpu.memory_space<vmem>> -> memref<1024x1x32xf32, #tpu.memory_space<vmem>>
            %dma_wait3A_449 = tpu.memref_squeeze %dma_wait3A_448 : memref<1024x1x32xf32, #tpu.memory_space<vmem>> -> memref<1024x32xf32, #tpu.memory_space<vmem>>
            %dma_wait3A_450 = arith.constant 0 : i32
            %dma_wait3A_451 = arith.constant 0 : i32
            %dma_wait3A_452 = tpu.memref_slice %run_scoped3A[%rem3A_336, %dma_wait3A_450, %dma_wait3A_451] : memref<2x1x1024xi32, #tpu.memory_space<vmem>> -> memref<1x1x1024xi32, #tpu.memory_space<vmem>>
            %dma_wait3A_453 = tpu.memref_squeeze %dma_wait3A_452 : memref<1x1x1024xi32, #tpu.memory_space<vmem>> -> memref<1x1024xi32, #tpu.memory_space<vmem>>
            %dma_wait3A_454 = arith.constant 0 : i32
            %dma_wait3A_455 = tpu.memref_slice %dma_wait3A_453[%run_scoped3A_339, %dma_wait3A_454] : memref<1x1024xi32, #tpu.memory_space<vmem>> -> memref<1x1024xi32, #tpu.memory_space<vmem>>
            %dma_wait3A_456 = tpu.memref_squeeze %dma_wait3A_455 : memref<1x1024xi32, #tpu.memory_space<vmem>> -> memref<1024xi32, #tpu.memory_space<vmem>>
            %dma_wait3A_457 = arith.constant 0 : i32
            %dma_wait3A_458 = arith.constant 0 : i32
            %dma_wait3A_459 = tpu.memref_slice %arg2[%dma_wait3A_457, %dma_wait3A_458] : memref<1000000x32xf32, #tpu.memory_space<hbm>> -> memref<1000000x32xf32, #tpu.memory_space<hbm>>
            tpu.wait_indirect_dma semaphore(%run_scoped3A_422 : memref<!tpu.dma_semaphore, #tpu.memory_space<semaphore_mem>>) src(%dma_wait3A_459 : memref<1000000x32xf32, #tpu.memory_space<hbm>>) dst(%dma_wait3A_449 : memref<1024x32xf32, #tpu.memory_space<vmem>>)
            tpu.yield
          }) : () -> ()
          "tpu.trace_stop"() : () -> ()
          %ne3A_341 = arith.cmpi ne, %add3A_228, %add3A_264 : i32
          %ne3A_342 = arith.cmpi ne, %add3A_230, %add3A_266 : i32
          %or3A_343 = arith.constant false
          %or3A_344 = arith.ori %or3A_343, %ne3A_341 : i1
          %or3A_345 = arith.ori %or3A_344, %ne3A_342 : i1
          %or3A_346 = arith.ori %or3A_345, %eq3A_227 : i1
          %convert_element_type3A_347 = arith.extui %or3A_346 : i1 to i32
          %cond3A_348 = arith.constant 0 : i32
          %cond3A_349 = arith.cmpi ne, %convert_element_type3A_347, %cond3A_348 : i32
          scf.if %cond3A_349 {
          } else {
          }
          %and3A_350 = arith.constant false
          %and3A_351 = arith.andi %or3A_346, %and3A_350 : i1
          %ne3A_352 = arith.cmpi ne, %add3A_230, %add3A_266 : i32
          %ne3A_353 = arith.cmpi ne, %add3A_228, %add3A_264 : i32
          %or3A_354 = arith.constant false
          %or3A_355 = arith.ori %or3A_354, %ne3A_352 : i1
          %or3A_356 = arith.ori %or3A_355, %ne3A_353 : i1
          %or3A_357 = arith.constant false
          %or3A_358 = arith.ori %or3A_356, %or3A_357 : i1
          %or3A_359 = arith.ori %or3A_358, %eq3A_227 : i1
          %convert_element_type3A_360 = arith.extui %or3A_359 : i1 to i32
          %cond3A_361 = arith.constant 0 : i32
          %cond3A_362 = arith.cmpi ne, %convert_element_type3A_360, %cond3A_361 : i32
          scf.if %cond3A_362 {
            "tpu.trace_start"() <{level = 10 : i32, message = "ep_copy_out"}> : () -> ()
            %rem3A_422 = arith.constant 2 : i32
            %rem3A_423 = arith.remui %while3A_215, %rem3A_422 : i32
            %mul3A_424 = arith.constant 1024 : i32
            %mul3A_425 = arith.muli %mul3A_424, %add3A_230 : i32
            %mul3A_426 = arith.constant 1 : i32
            %mul3A_427 = arith.muli %mul3A_426, %add3A_228 : i32
            %dma_start3A_428 = arith.constant 0 : i32
            %dma_start3A_429 = arith.constant 0 : i32
            %dma_start3A_430 = arith.constant 0 : i32
            %dma_start3A_431 = tpu.memref_slice %run_scoped3A_20[%rem3A_423, %dma_start3A_428, %dma_start3A_429, %dma_start3A_430] : memref<2x1024x1x32xf32, #tpu.memory_space<vmem>> -> memref<1x1024x1x32xf32, #tpu.memory_space<vmem>>
            %dma_start3A_432 = tpu.memref_squeeze %dma_start3A_431 : memref<1x1024x1x32xf32, #tpu.memory_space<vmem>> -> memref<1024x1x32xf32, #tpu.memory_space<vmem>>
            %dma_start3A_433 = arith.constant 0 : i32
            %dma_start3A_434 = tpu.memref_slice %arg4[%mul3A_425, %mul3A_427, %dma_start3A_433] : memref<16384x26x32xf32, #tpu.memory_space<hbm>> -> memref<1024x1x32xf32, #tpu.memory_space<hbm>>
            %dma_start3A_435 = tpu.memref_slice %run_scoped3A_21[%rem3A_423] : memref<2x!tpu.dma_semaphore, #tpu.memory_space<semaphore_mem>> -> memref<1x!tpu.dma_semaphore, #tpu.memory_space<semaphore_mem>>
            %dma_start3A_436 = tpu.memref_squeeze %dma_start3A_435 : memref<1x!tpu.dma_semaphore, #tpu.memory_space<semaphore_mem>> -> memref<!tpu.dma_semaphore, #tpu.memory_space<semaphore_mem>>
            %dma_start3A_437 = arith.constant 0 : i32
            %dma_start3A_438 = tpu.memref_slice %arg4[%mul3A_425, %mul3A_427, %dma_start3A_437] : memref<16384x26x32xf32, #tpu.memory_space<hbm>> -> memref<1024x1x32xf32, #tpu.memory_space<hbm>>
            %dma_start3A_439 = arith.constant 0 : i32
            %dma_start3A_440 = arith.constant 0 : i32
            %dma_start3A_441 = arith.constant 0 : i32
            %dma_start3A_442 = tpu.memref_slice %run_scoped3A_20[%rem3A_423, %dma_start3A_439, %dma_start3A_440, %dma_start3A_441] : memref<2x1024x1x32xf32, #tpu.memory_space<vmem>> -> memref<1x1024x1x32xf32, #tpu.memory_space<vmem>>
            %dma_start3A_443 = tpu.memref_squeeze %dma_start3A_442 : memref<1x1024x1x32xf32, #tpu.memory_space<vmem>> -> memref<1024x1x32xf32, #tpu.memory_space<vmem>>
            tpu.enqueue_dma source(%dma_start3A_443 : memref<1024x1x32xf32, #tpu.memory_space<vmem>>) target(%dma_start3A_438 : memref<1024x1x32xf32, #tpu.memory_space<hbm>>) target_semaphore(%dma_start3A_436 : memref<!tpu.dma_semaphore, #tpu.memory_space<semaphore_mem>>)
            "tpu.trace_stop"() : () -> ()
          } else {
          }
          %and3A_363 = arith.constant true
          %and3A_364 = arith.andi %or3A_359, %and3A_363 : i1
          %add3A_365 = arith.constant 1 : i32
          %add3A_366 = arith.addi %while3A_215, %add3A_365 : i32
          %select_n3A_367 = arith.select %and3A_364, %add3A_366, %while3A_215 : i32
          %ne3A_368 = arith.cmpi ne, %add3A_228, %add3A_247 : i32
          %ne3A_369 = arith.cmpi ne, %add3A_230, %add3A_249 : i32
          %or3A_370 = arith.constant false
          %or3A_371 = arith.ori %or3A_370, %ne3A_368 : i1
          %or3A_372 = arith.ori %or3A_371, %ne3A_369 : i1
          %not3A_373 = arith.constant true
          %not3A_374 = arith.xori %eq3A_224, %not3A_373 : i1
          %and3A_375 = arith.andi %or3A_372, %not3A_374 : i1
          %convert_element_type3A_376 = arith.extui %and3A_375 : i1 to i32
          %cond3A_377 = arith.constant 0 : i32
          %cond3A_378 = arith.cmpi ne, %convert_element_type3A_376, %cond3A_377 : i32
          scf.if %cond3A_378 {
          } else {
          }
          %and3A_379 = arith.constant false
          %and3A_380 = arith.andi %and3A_375, %and3A_379 : i1
          %ne3A_381 = arith.cmpi ne, %add3A_230, %add3A_249 : i32
          %ne3A_382 = arith.cmpi ne, %add3A_228, %add3A_247 : i32
          %or3A_383 = arith.constant false
          %or3A_384 = arith.ori %or3A_383, %ne3A_381 : i1
          %or3A_385 = arith.ori %or3A_384, %ne3A_382 : i1
          %or3A_386 = arith.constant false
          %or3A_387 = arith.ori %or3A_385, %or3A_386 : i1
          %not3A_388 = arith.constant true
          %not3A_389 = arith.xori %eq3A_224, %not3A_388 : i1
          %and3A_390 = arith.andi %or3A_387, %not3A_389 : i1
          %convert_element_type3A_391 = arith.extui %and3A_390 : i1 to i32
          %cond3A_392 = arith.constant 0 : i32
          %cond3A_393 = arith.cmpi ne, %convert_element_type3A_391, %cond3A_392 : i32
          scf.if %cond3A_393 {
            "tpu.trace_start"() <{level = 10 : i32, message = "ep_wait_out"}> : () -> ()
            %rem3A_422 = arith.constant 2 : i32
            %rem3A_423 = arith.remui %while3A_216, %rem3A_422 : i32
            %mul3A_424 = arith.constant 1024 : i32
            %mul3A_425 = arith.muli %mul3A_424, %add3A_249 : i32
            %mul3A_426 = arith.constant 1 : i32
            %mul3A_427 = arith.muli %mul3A_426, %add3A_247 : i32
            %dma_wait3A = arith.constant 0 : i32
            %dma_wait3A_428 = arith.constant 0 : i32
            %dma_wait3A_429 = arith.constant 0 : i32
            %dma_wait3A_430 = tpu.memref_slice %run_scoped3A_20[%rem3A_423, %dma_wait3A, %dma_wait3A_428, %dma_wait3A_429] : memref<2x1024x1x32xf32, #tpu.memory_space<vmem>> -> memref<1x1024x1x32xf32, #tpu.memory_space<vmem>>
            %dma_wait3A_431 = tpu.memref_squeeze %dma_wait3A_430 : memref<1x1024x1x32xf32, #tpu.memory_space<vmem>> -> memref<1024x1x32xf32, #tpu.memory_space<vmem>>
            %dma_wait3A_432 = arith.constant 0 : i32
            %dma_wait3A_433 = tpu.memref_slice %arg4[%mul3A_425, %mul3A_427, %dma_wait3A_432] : memref<16384x26x32xf32, #tpu.memory_space<hbm>> -> memref<1024x1x32xf32, #tpu.memory_space<hbm>>
            %dma_wait3A_434 = tpu.memref_slice %run_scoped3A_21[%rem3A_423] : memref<2x!tpu.dma_semaphore, #tpu.memory_space<semaphore_mem>> -> memref<1x!tpu.dma_semaphore, #tpu.memory_space<semaphore_mem>>
            %dma_wait3A_435 = tpu.memref_squeeze %dma_wait3A_434 : memref<1x!tpu.dma_semaphore, #tpu.memory_space<semaphore_mem>> -> memref<!tpu.dma_semaphore, #tpu.memory_space<semaphore_mem>>
            %dma_wait3A_436 = arith.constant 0 : i32
            %dma_wait3A_437 = tpu.memref_slice %arg4[%mul3A_425, %mul3A_427, %dma_wait3A_436] : memref<16384x26x32xf32, #tpu.memory_space<hbm>> -> memref<1024x1x32xf32, #tpu.memory_space<hbm>>
            %dma_wait3A_438 = arith.constant 0 : i32
            %dma_wait3A_439 = arith.constant 0 : i32
            %dma_wait3A_440 = arith.constant 0 : i32
            %dma_wait3A_441 = tpu.memref_slice %run_scoped3A_20[%rem3A_423, %dma_wait3A_438, %dma_wait3A_439, %dma_wait3A_440] : memref<2x1024x1x32xf32, #tpu.memory_space<vmem>> -> memref<1x1024x1x32xf32, #tpu.memory_space<vmem>>
            %dma_wait3A_442 = tpu.memref_squeeze %dma_wait3A_441 : memref<1x1024x1x32xf32, #tpu.memory_space<vmem>> -> memref<1024x1x32xf32, #tpu.memory_space<vmem>>
            tpu.wait_dma2 semaphore(%dma_wait3A_435 : memref<!tpu.dma_semaphore, #tpu.memory_space<semaphore_mem>>) src(%dma_wait3A_442 : memref<1024x1x32xf32, #tpu.memory_space<vmem>>) dst(%dma_wait3A_437 : memref<1024x1x32xf32, #tpu.memory_space<hbm>>)
            "tpu.trace_stop"() : () -> ()
          } else {
          }
          %and3A_394 = arith.constant true
          %and3A_395 = arith.andi %and3A_390, %and3A_394 : i1
          %add3A_396 = arith.constant 1 : i32
          %add3A_397 = arith.addi %while3A_216, %add3A_396 : i32
          %select_n3A_398 = arith.select %and3A_395, %add3A_397, %while3A_216 : i32
          %ne3A_399 = arith.cmpi ne, %add3A_228, %add3A_264 : i32
          %ne3A_400 = arith.cmpi ne, %add3A_230, %add3A_266 : i32
          %or3A_401 = arith.constant false
          %or3A_402 = arith.ori %or3A_401, %ne3A_399 : i1
          %or3A_403 = arith.ori %or3A_402, %ne3A_400 : i1
          %or3A_404 = arith.ori %or3A_403, %eq3A_227 : i1
          %add3A_405 = arith.constant 1 : i32
          %add3A_406 = arith.addi %while3A_214, %add3A_405 : i32
          %select_n3A_407 = arith.select %or3A_404, %add3A_406, %while3A_214 : i32
          %add3A_408 = arith.constant 1 : i32
          %add3A_409 = arith.addi %while3A_218, %add3A_408 : i32
          %select_n3A_410 = arith.constant true
          %select_n3A_411 = arith.select %select_n3A_410, %add3A_409, %while3A_218 : i32
          %eq3A_412 = arith.constant 16 : i32
          %eq3A_413 = arith.cmpi eq, %select_n3A_411, %eq3A_412 : i32
          %select_n3A_414 = arith.constant 0 : i32
          %select_n3A_415 = arith.select %eq3A_413, %select_n3A_414, %select_n3A_411 : i32
          %add3A_416 = arith.constant 1 : i32
          %add3A_417 = arith.addi %while3A_217, %add3A_416 : i32
          %select_n3A_418 = arith.select %eq3A_413, %add3A_417, %while3A_217 : i32
          %eq3A_419 = arith.cmpi eq, %select_n3A_418, %select_n3A : i32
          %select_n3A_420 = arith.constant 0 : i32
          %select_n3A_421 = arith.select %eq3A_419, %select_n3A_420, %select_n3A_418 : i32
          scf.yield %select_n3A_299, %select_n3A_407, %select_n3A_367, %select_n3A_398, %select_n3A_421, %select_n3A_415 : i32, i32, i32, i32, i32, i32
        }
        %sub3A_123 = arith.constant 1 : i32
        %sub3A_124 = arith.subi %while3A_122#5, %sub3A_123 : i32
        %select_n3A_125 = arith.constant true
        %select_n3A_126 = arith.select %select_n3A_125, %sub3A_124, %while3A_122#5 : i32
        %eq3A_127 = arith.constant -1 : i32
        %eq3A_128 = arith.cmpi eq, %select_n3A_126, %eq3A_127 : i32
        %select_n3A_129 = arith.constant 15 : i32
        %select_n3A_130 = arith.select %eq3A_128, %select_n3A_129, %select_n3A_126 : i32
        %sub3A_131 = arith.constant 1 : i32
        %sub3A_132 = arith.subi %while3A_122#4, %sub3A_131 : i32
        %select_n3A_133 = arith.select %eq3A_128, %sub3A_132, %while3A_122#4 : i32
        %eq3A_134 = arith.constant -1 : i32
        %eq3A_135 = arith.cmpi eq, %select_n3A_133, %eq3A_134 : i32
        %sub3A_136 = arith.constant 1 : i32
        %sub3A_137 = arith.subi %select_n3A, %sub3A_136 : i32
        %select_n3A_138 = arith.select %eq3A_135, %sub3A_137, %select_n3A_133 : i32
        %sub3A_139 = arith.constant 1 : i32
        %sub3A_140 = arith.subi %mul3A_18, %sub3A_139 : i32
        %mul3A_141 = arith.constant 1 : i32
        %mul3A_142 = arith.muli %mul3A_141, %select_n3A : i32
        %mul3A_143 = arith.constant 16 : i32
        %mul3A_144 = arith.muli %mul3A_142, %mul3A_143 : i32
        %eq3A_145 = arith.constant 0 : i32
        %eq3A_146 = arith.cmpi eq, %sub3A_140, %eq3A_145 : i32
        %sub3A_147 = arith.constant 1 : i32
        %sub3A_148 = arith.subi %mul3A_144, %sub3A_147 : i32
        %eq3A_149 = arith.cmpi eq, %sub3A_140, %sub3A_148 : i32
        %add3A_150 = arith.addi %select_n3A_138, %select_n3A_14 : i32
        %add3A_151 = arith.constant 0 : i32
        %add3A_152 = arith.addi %select_n3A_130, %add3A_151 : i32
        %sub3A_153 = arith.constant 1 : i32
        %sub3A_154 = arith.subi %select_n3A_130, %sub3A_153 : i32
        %select_n3A_155 = arith.constant true
        %select_n3A_156 = arith.select %select_n3A_155, %sub3A_154, %select_n3A_130 : i32
        %eq3A_157 = arith.constant -1 : i32
        %eq3A_158 = arith.cmpi eq, %select_n3A_156, %eq3A_157 : i32
        %select_n3A_159 = arith.constant 15 : i32
        %select_n3A_160 = arith.select %eq3A_158, %select_n3A_159, %select_n3A_156 : i32
        %sub3A_161 = arith.constant 1 : i32
        %sub3A_162 = arith.subi %select_n3A_138, %sub3A_161 : i32
        %select_n3A_163 = arith.select %eq3A_158, %sub3A_162, %select_n3A_138 : i32
        %eq3A_164 = arith.constant -1 : i32
        %eq3A_165 = arith.cmpi eq, %select_n3A_163, %eq3A_164 : i32
        %sub3A_166 = arith.constant 1 : i32
        %sub3A_167 = arith.subi %select_n3A, %sub3A_166 : i32
        %select_n3A_168 = arith.select %eq3A_165, %sub3A_167, %select_n3A_163 : i32
        %add3A_169 = arith.addi %select_n3A_168, %select_n3A_14 : i32
        %add3A_170 = arith.constant 0 : i32
        %add3A_171 = arith.addi %select_n3A_160, %add3A_170 : i32
        %add3A_172 = arith.constant 1 : i32
        %add3A_173 = arith.addi %select_n3A_130, %add3A_172 : i32
        %select_n3A_174 = arith.constant true
        %select_n3A_175 = arith.select %select_n3A_174, %add3A_173, %select_n3A_130 : i32
        %eq3A_176 = arith.constant 16 : i32
        %eq3A_177 = arith.cmpi eq, %select_n3A_175, %eq3A_176 : i32
        %select_n3A_178 = arith.constant 0 : i32
        %select_n3A_179 = arith.select %eq3A_177, %select_n3A_178, %select_n3A_175 : i32
        %add3A_180 = arith.constant 1 : i32
        %add3A_181 = arith.addi %select_n3A_138, %add3A_180 : i32
        %select_n3A_182 = arith.select %eq3A_177, %add3A_181, %select_n3A_138 : i32
        %eq3A_183 = arith.cmpi eq, %select_n3A_182, %select_n3A : i32
        %select_n3A_184 = arith.constant 0 : i32
        %select_n3A_185 = arith.select %eq3A_183, %select_n3A_184, %select_n3A_182 : i32
        %add3A_186 = arith.addi %select_n3A_185, %select_n3A_14 : i32
        %add3A_187 = arith.constant 0 : i32
        %add3A_188 = arith.addi %select_n3A_179, %add3A_187 : i32
        %add3A_189 = arith.constant 1 : i32
        %add3A_190 = arith.addi %select_n3A_179, %add3A_189 : i32
        %select_n3A_191 = arith.constant true
        %select_n3A_192 = arith.select %select_n3A_191, %add3A_190, %select_n3A_179 : i32
        %eq3A_193 = arith.constant 16 : i32
        %eq3A_194 = arith.cmpi eq, %select_n3A_192, %eq3A_193 : i32
        %select_n3A_195 = arith.constant 0 : i32
        %select_n3A_196 = arith.select %eq3A_194, %select_n3A_195, %select_n3A_192 : i32
        %add3A_197 = arith.constant 1 : i32
        %add3A_198 = arith.addi %select_n3A_185, %add3A_197 : i32
        %select_n3A_199 = arith.select %eq3A_194, %add3A_198, %select_n3A_185 : i32
        %eq3A_200 = arith.cmpi eq, %select_n3A_199, %select_n3A : i32
        %select_n3A_201 = arith.constant 0 : i32
        %select_n3A_202 = arith.select %eq3A_200, %select_n3A_201, %select_n3A_199 : i32
        %add3A_203 = arith.addi %select_n3A_202, %select_n3A_14 : i32
        %add3A_204 = arith.constant 0 : i32
        %add3A_205 = arith.addi %select_n3A_196, %add3A_204 : i32
        %convert_element_type3A_206 = arith.extui %eq3A_149 : i1 to i32
        %cond3A_207 = arith.constant 0 : i32
        %cond3A_208 = arith.cmpi ne, %convert_element_type3A_206, %cond3A_207 : i32
        scf.if %cond3A_208 {
        } else {
        }
        %convert_element_type3A_209 = arith.extui %eq3A_149 : i1 to i32
        %cond3A_210 = arith.constant 0 : i32
        %cond3A_211 = arith.cmpi ne, %convert_element_type3A_209, %cond3A_210 : i32
        scf.if %cond3A_211 {
          "tpu.trace_start"() <{level = 10 : i32, message = "ep_finalize"}> : () -> ()
          %rem3A_212 = arith.constant 2 : i32
          %rem3A_213 = arith.remui %while3A_122#3, %rem3A_212 : i32
          %mul3A_214 = arith.constant 1024 : i32
          %mul3A_215 = arith.muli %mul3A_214, %add3A_152 : i32
          %mul3A_216 = arith.constant 1 : i32
          %mul3A_217 = arith.muli %mul3A_216, %add3A_150 : i32
          %dma_wait3A = arith.constant 0 : i32
          %dma_wait3A_218 = arith.constant 0 : i32
          %dma_wait3A_219 = arith.constant 0 : i32
          %dma_wait3A_220 = tpu.memref_slice %run_scoped3A_20[%rem3A_213, %dma_wait3A, %dma_wait3A_218, %dma_wait3A_219] : memref<2x1024x1x32xf32, #tpu.memory_space<vmem>> -> memref<1x1024x1x32xf32, #tpu.memory_space<vmem>>
          %dma_wait3A_221 = tpu.memref_squeeze %dma_wait3A_220 : memref<1x1024x1x32xf32, #tpu.memory_space<vmem>> -> memref<1024x1x32xf32, #tpu.memory_space<vmem>>
          %dma_wait3A_222 = arith.constant 0 : i32
          %dma_wait3A_223 = tpu.memref_slice %arg4[%mul3A_215, %mul3A_217, %dma_wait3A_222] : memref<16384x26x32xf32, #tpu.memory_space<hbm>> -> memref<1024x1x32xf32, #tpu.memory_space<hbm>>
          %dma_wait3A_224 = tpu.memref_slice %run_scoped3A_21[%rem3A_213] : memref<2x!tpu.dma_semaphore, #tpu.memory_space<semaphore_mem>> -> memref<1x!tpu.dma_semaphore, #tpu.memory_space<semaphore_mem>>
          %dma_wait3A_225 = tpu.memref_squeeze %dma_wait3A_224 : memref<1x!tpu.dma_semaphore, #tpu.memory_space<semaphore_mem>> -> memref<!tpu.dma_semaphore, #tpu.memory_space<semaphore_mem>>
          %dma_wait3A_226 = arith.constant 0 : i32
          %dma_wait3A_227 = tpu.memref_slice %arg4[%mul3A_215, %mul3A_217, %dma_wait3A_226] : memref<16384x26x32xf32, #tpu.memory_space<hbm>> -> memref<1024x1x32xf32, #tpu.memory_space<hbm>>
          %dma_wait3A_228 = arith.constant 0 : i32
          %dma_wait3A_229 = arith.constant 0 : i32
          %dma_wait3A_230 = arith.constant 0 : i32
          %dma_wait3A_231 = tpu.memref_slice %run_scoped3A_20[%rem3A_213, %dma_wait3A_228, %dma_wait3A_229, %dma_wait3A_230] : memref<2x1024x1x32xf32, #tpu.memory_space<vmem>> -> memref<1x1024x1x32xf32, #tpu.memory_space<vmem>>
          %dma_wait3A_232 = tpu.memref_squeeze %dma_wait3A_231 : memref<1x1024x1x32xf32, #tpu.memory_space<vmem>> -> memref<1024x1x32xf32, #tpu.memory_space<vmem>>
          tpu.wait_dma2 semaphore(%dma_wait3A_225 : memref<!tpu.dma_semaphore, #tpu.memory_space<semaphore_mem>>) src(%dma_wait3A_232 : memref<1024x1x32xf32, #tpu.memory_space<vmem>>) dst(%dma_wait3A_227 : memref<1024x1x32xf32, #tpu.memory_space<hbm>>)
          "tpu.trace_stop"() : () -> ()
        } else {
        }
      } else {
      }
      tpu.yield
    }) : () -> ()
    return
  }
}

</mosaic_0001>

<sc_bundles>
// kernel: kernel.3.cloned.1.call-start
scs
__scs_entry_jumppad:
0x0: {  	(pc) =	sbr.rel $0x88, $3  }
0x1: {  	(tag) =	ssettag $0x0;
	lr =	simm.s32 $0x1  }
0x2: {  	[smem:$0x3F9F] =	sst lr;
	_ =	strace $0xD0000000  }
0x3: {  	_ = 	snop  }
0x4: {  	_ = 	snop  }
0x5: {  	_ = 	snop  }
0x6: {  	_ = 	snop  }
0x7: {  	_ = 	snop  }
__scs_overlays_trampoline_lowered:
0x8: {  	[smem:$0x3FAE] =	sst s0  }
0x9: {  	[smem:$0x3FAF] =	sst s1  }
0xa: {  	[smem:$0x3FB0] =	sst s2  }
0xb: {  	[smem:$0x3FB1] =	sst s3  }
0xc: {  	[smem:$0x3FB2] =	sst s4  }
0xd: {  	[smem:$0x3FB3] =	sst s5  }
0xe: {  	[smem:$0x3FB4] =	sst s6  }
0xf: {  	[smem:$0x3FB5] =	sst s7  }
0x10: {  	[smem:$0x3FB6] =	sst s8  }
0x11: {  	[smem:$0x3FB7] =	sst s9;
	s0 =	simm.s32 @!p0 $0x0  }
0x12: {  	s1 =	sld [smem:$0x3F9D];
	s0 =	simm.s32 @p0 $0x1  }
0x13: {  	[smem:$0x3FB8] =	sst s0;
	s0 =	simm.s32 @!p1 $0x0  }
0x14: {  	s2 =	sld [smem:$0x3F9C];
	s0 =	simm.s32 @p1 $0x1  }
0x15: {  	[smem:$0x3FB9] =	sst s0;
	s0 =	simm.s32 @!p2 $0x0  }
0x16: {  	s3 =	sld [smem:$0x3FDB];
	s0 =	simm.s32 @p2 $0x1  }
0x17: {  	s4 =	simm.s32 $0x1BF5;
	[smem:$0x3FBB] =	sst s0  }
0x18: {  	s0 =	sld [smem:$0x3F9E];
	_ =	swait.ge [sflag:s4], $0x0  }
0x19: {  	s7 =	sld [smem:$0x3F9F]  }
0x1a: {  	s8 =	sadd.s32 $0xFFFFE003, lr  }
0x1b: {  	s9 =	sadd.s32 $0xFFFFFEF7, lr;
	s5 =	simm.s32 $0xFFFFFFFF;
	p2 =	slt.u32 s8, $0xFFFFF086  }
0x1c: {  	p1 =	slt.u32 s9, $0xF7A;
	s5 =	simm.s32 @!p2 $0x0  }
0x1d: {  	s5 =	simm.s32 @p1 $0x1;
	p0 =	seq.s32 s7, s2  }
0x1e: {  	s7 =	smul.u32 @!p0 $0xF7A, s2;
	p2 =	seq.s32 @!p0 s5, $0x0  }
0x1f: {  	s9 =	smul.u32 $0xF7A, s1;
	s8 =	simm.s32 @!p0 $0x1BF5;
	p2 =	por !p2, p0  }
0x20: {  	[sflag:s8] =	ssyncset.s32 @!p0 $0xFFFFF086;
	s6 =	sadd.s32 @!p0 s3, s7;
	s7 =	simm.s32 @!p0 $0x108  }
0x21: {  	s3 =	sadd.s32 s3, s9;
	s6 =	sadd.s32 @!p0 $0x88, s6;
	s7 =	simm.s32 @p2 $0x1082  }
0x22: {  	[simem:s7], [sflag:s8] =	dma.local @!p0 [hbm:s6], $0xF7A  }
0x23: {  	s9 =	sor.u32 $0xD0000000, s2;
	s6 =	simm.s32 $0x108;
	_ =	swait.ge @!p0 [sflag:s8], $0x0  }
0x24: {  	s3 =	sadd.s32 $0x88, s3;
	s6 =	simm.s32 @!p1 $0x1082;
	[sflag:s4] =	ssyncset.s32 $0xFFFFF086  }
0x25: {  	[simem:s6], [sflag:s4] =	dma.local [hbm:s3], $0xF7A  }
0x26: {  	[smem:$0x3F9F] =	sst s1;
	(tag) =	ssettag s2;
	_ =	strace s9  }
0x27: {  	s1 =	sld [smem:$0x3FAF]  }
0x28: {  	s2 =	sld [smem:$0x3FB0]  }
0x29: {  	s4 =	sld [smem:$0x3FB2]  }
0x2a: {  	p0 =	seq.s32 s5, $0x0;
	s5 =	sld [smem:$0x3FB3]  }
0x2b: {  	s6 =	sld [smem:$0x3FB4]  }
0x2c: {  	s7 =	sld [smem:$0x3FB5]  }
0x2d: {  	s3 =	simm.s32 $0x108;
	s8 =	sld [smem:$0x3FB6]  }
0x2e: {  	s3 =	simm.s32 @!p0 $0x1082;
	s9 =	sld [smem:$0x3FB7]  }
0x2f: {  	lr =	sadd.s32 s0, s3;
	s0 =	sld [smem:$0x3FAE]  }
0x30: {  	s3 =	sld [smem:$0x3FB1]  }
0x31: {  	[smem:$0x3FBA] =	sst s10  }
0x32: {  	s10 =	sld [smem:$0x3FB8];
	_ =	sdelay $0x3  }
0x33: {  	p0 =	seq.s32 s10, $0x1;
	s10 =	sld [smem:$0x3FBA];
	_ =	sdelay $0x3  }
0x34: {  	[smem:$0x3FBA] =	sst s10  }
0x35: {  	s10 =	sld [smem:$0x3FB9];
	_ =	sdelay $0x3  }
0x36: {  	p1 =	seq.s32 s10, $0x1;
	s10 =	sld [smem:$0x3FBA];
	_ =	sdelay $0x3  }
0x37: {  	[smem:$0x3FBA] =	sst s10  }
0x38: {  	s10 =	sld [smem:$0x3FBB]  }
0x39: {  	_ = 	snop;
	(pc) =	sbr.ind lr, $3  }
0x3a: {  	_ = 	snop  }
0x3b: {  	_ = 	snop  }
0x3c: {  	p2 =	seq.s32 s10, $0x1;
	s10 =	sld [smem:$0x3FBA]  }
0x3d: {  	_ =	shalt  }
0x3e: {  	_ =	shalt  }
0x3f: {  	_ =	shalt  }
0x40: {  	_ =	shalt  }
0x41: {  	_ =	shalt  }
0x42: {  	_ =	shalt  }
0x43: {  	_ =	shalt  }
0x44: {  	_ =	shalt  }
0x45: {  	_ =	shalt  }
0x46: {  	_ =	shalt  }
0x47: {  	_ =	shalt  }
0x48: {  	_ =	shalt  }
0x49: {  	_ =	shalt  }
0x4a: {  	_ =	shalt  }
0x4b: {  	_ =	shalt  }
0x4c: {  	_ =	shalt  }
0x4d: {  	_ =	shalt  }
0x4e: {  	_ =	shalt  }
0x4f: {  	_ =	shalt  }
0x50: {  	_ =	shalt  }
0x51: {  	_ =	shalt  }
0x52: {  	_ =	shalt  }
0x53: {  	_ =	shalt  }
0x54: {  	_ =	shalt  }
0x55: {  	_ =	shalt  }
0x56: {  	_ =	shalt  }
0x57: {  	_ =	shalt  }
0x58: {  	_ =	shalt  }
0x59: {  	_ =	shalt  }
0x5a: {  	_ =	shalt  }
0x5b: {  	_ =	shalt  }
0x5c: {  	_ =	shalt  }
0x5d: {  	_ =	shalt  }
0x5e: {  	_ =	shalt  }
0x5f: {  	_ =	shalt  }
0x60: {  	_ =	shalt  }
0x61: {  	_ =	shalt  }
0x62: {  	_ =	shalt  }
0x63: {  	_ =	shalt  }
0x64: {  	_ =	shalt  }
0x65: {  	_ =	shalt  }
0x66: {  	_ =	shalt  }
0x67: {  	_ =	shalt  }
0x68: {  	_ =	shalt  }
0x69: {  	_ =	shalt  }
0x6a: {  	_ =	shalt  }
0x6b: {  	_ =	shalt  }
0x6c: {  	_ =	shalt  }
0x6d: {  	_ =	shalt  }
0x6e: {  	_ =	shalt  }
0x6f: {  	_ =	shalt  }
0x70: {  	_ =	shalt  }
0x71: {  	_ =	shalt  }
0x72: {  	_ =	shalt  }
0x73: {  	_ =	shalt  }
0x74: {  	_ =	shalt  }
0x75: {  	_ =	shalt  }
0x76: {  	_ =	shalt  }
0x77: {  	_ =	shalt  }
0x78: {  	_ =	shalt  }
0x79: {  	_ =	shalt  }
0x7a: {  	_ =	shalt  }
0x7b: {  	_ =	shalt  }
0x7c: {  	_ =	shalt  }
0x7d: {  	_ =	shalt  }
0x7e: {  	_ =	shalt  }
0x7f: {  	_ =	shalt  }
0x80: {  	_ =	shalt  }
0x81: {  	_ =	shalt  }
0x82: {  	_ =	shalt  }
0x83: {  	_ =	shalt  }
0x84: {  	_ =	shalt  }
0x85: {  	_ =	shalt  }
0x86: {  	_ =	shalt  }
0x87: {  	_ =	shalt  }
.Lfunc_end0:
.L_simem_size_0:
called_computation.1_lowered:
.L_overlay_start_0:
0x88: {  	s2 =	sld [smem:$0x3FD9]  }
0x89: {  	s3 =	sld [smem:$0x3FFE];
	_ =	sdelay $0x1  }
0x8a: {  	s1 =	srdreg.scid  }
0x8b: {  	s0 =	sand.u32 $0x1, s1  }
0x8c: {  	s17 =	sshll.u32 s0, $0xA;
	s2 =	sadd.s32 s3, s2  }
0x8d: {  	s2 =	sadd.s32 s2, s17  }
0x8e: {  	[smem:$0x3FC6] =	sst s2  }
0x8f: {  	_ = 	snop  }
0x90: {  	s2 =	sld [smem:$0x3FD0];
	(tm) =	ssettm $0x1  }
0x91: {  	s18 =	sld [smem:$0x3FFB];
	_ =	sdelay $0x3  }
0x92: {  	_ =	strace s18  }
0x93: {  	s3 =	sld [smem:$0x3FFC];
	_ =	sdelay $0x3  }
0x94: {  	_ =	strace s3  }
0x95: {  	s3 =	sld [smem:$0x3FFD];
	_ =	sdelay $0x3  }
0x96: {  	_ =	strace s3  }
0x97: {  	_ =	strace $0x8FFFFFFF  }
0x98: {  	s19 =	sld [smem:$0x3FDB];
	_ =	sdelay $0x1  }
0x99: {  	s4 =	simm.s32 $_scs_section_size  }
0x9a: {  	s5 =	simm.s32 $_size__tile_overlayer_lowered;
	s6 =	simm.s32 $_tile_overlayer_lowered  }
0x9b: {  	s22 =	simm.s32 $0x1BFF;
	s21 =	sshll.u32 s6, $0x1;
	s3 =	sadd.s32 s4, s19  }
0x9c: {  	s7 =	simm.s32 $0x0;
	s20 =	sshll.u32 s5, $0x1;
	s5 =	sadd.s32 s21, s3  }
0x9d: {  	[timem:s7], [sflag:s22] =	dma.local [hbm:s5], s20  }
0x9e: {  	_ =	swait.ge [sflag:s22], s20  }
0x9f: {  	s4 =	ssub.s32 $0x0, s20;
	[sflag:s22] =	ssyncset.done $0x0  }
0xa0: {  	[sflag:s22] =	ssyncadd.s32 s4;
	_ =	sdelay $0x1  }
0xa1: {  	s23 =	simm.s32 $0x1B8B  }
0xa2: {  	_ =	swait.ge [sflag:s23], $0x1  }
0xa3: {  	[sflag:s23] =	ssyncset.done $0x0  }
0xa4: {  	s25 =	simm.s32 $0x1B8E;
	s24 =	sld [smem:$0x3FFE];
	[sflag:s23] =	ssyncadd.s32 $0xFFFFFFFF  }
0xa5: {  	s26 =	simm.s32 $execute0_lowered;
	[smem:$0x3FD2] =	sst s25  }
0xa6: {  	s5 =	sshll.u32 s26, $0x1;
	_ =	strace $0x80000046;
	[dreg:$0x1] =	wrdreg $0xFFFFFFFF  }
0xa7: {  	s28 =	simm.s32 $_size_execute0_lowered;
	s3 =	sadd.s32 s3, s5;
	[dreg:$0x0] =	wrdreg $0x0  }
0xa8: {  	s5 =	sshll.u32 s28, $0x1;
	[dreg:$0x2] =	wrdreg s3  }
0xa9: {  	[dreg:$0x3] =	wrdreg s5  }
0xaa: {  	[dreg:$0x4] =	wrdreg $0xC0  }
0xab: {  	_ =	task [dreg:s7], $0x5FFFF  }
0xac: {  	[dreg:$0x1] =	wrdreg $0xFFFFFFFF  }
0xad: {  	[dreg:$0x0] =	wrdreg $0x60  }
0xae: {  	[dreg:$0x2] =	wrdreg s24  }
0xaf: {  	[dreg:$0x3] =	wrdreg s2  }
0xb0: {  	[dreg:$0x4] =	wrdreg $0x9  }
0xb1: {  	_ =	task.clear_ibuf [dreg:s7], $0x5FFFF;
	_ =	strace $0x90000046  }
0xb2: {  	s29 =	simm.s32 $0x9;
	_ =	strace $0x8000004F  }
0xb3: {  	_ =	swait.ge [sflag:s29], $0x1  }
0xb4: {  	[sflag:s29] =	ssyncadd.s32 $0xFFFFFFFF  }
0xb5: {  	_ =	strace $0x9000004F  }
0xb6: {  	_ =	sfence  }
0xb7: {  	s30 =	sld [smem:$0x0];
	_ =	sdelay $0x2  }
0xb8: {  	s31 =	sshll.u32 s1, $0xD;
	s1 =	sshrl.u32 s1, $0x2  }
0xb9: {  	s3 =	sand.u32 $0x4000, s31;
	s1 =	sadd.s32 s1, s30  }
0xba: {  	s0 =	sor.u32 s3, s0;
	s1 =	sshll.u32 s1, $0x11  }
0xbb: {  	s0 =	sor.u32 s1, s0  }
0xbc: {  	s0 =	sadd.s32 $0x8F2B, s0  }
0xbd: {  	[sflag:s0] =	ssyncadd.remote.s32 $0x1  }
0xbe: {  	_ =	sfence.sel $0xFFFF  }
0xbf: {  	[dreg:$0x0] =	wrdreg $0xFFFFFFFF;
	(pc) =	sbr.abs _section_cstart, $3  }
0xc0: {  	[dreg:$0x1] =	wrdreg $0xFFFFFFFF  }
0xc1: {  	_ =	task.clear_ibuf [dreg:s7], $0x2FFFF;
	_ =	strace $0x9FFFFFFF  }
0xc2: {  	(tm) =	ssettm $0x7FFFFFFF  }
0xc3: {  	_ =	shalt  }
tec
execute0_lowered:
.L_overlay_start_1:
0x0: {  	(tag) =	ssettag $0x1  }
0x1: {  	s0 =	srdreg.scid  }
0x2: {  	s1 =	rddreg [dreg:$0x1];
	s6 =	sand.u32 $0x1, s0  }
0x3: {  	[dreg:$0x6] =	wrdreg s1;
	s1 =	stileid.u32;
	s4 =	sshll.u32 s6, $0x4  }
0x4: {  	s5 =	sor.u32 s1, s4  }
0x5: {  	p0 =	sgt.u32 s5, $0x19  }
.Ltmp0:
0x6: {  	_ = 	snop;
	(pc) =	sbr.rel @p0 .LBB2_5-.Ltmp0, $4  }
0x7: {  	_ = 	snop  }
0x8: {  	s3 =	rddreg [dreg:$0x0];
	s2 =	simm.s32 $0x0  }
0x9: {  	[smem:$0x7FF] =	sst s2  }
0xa: {  	s0 =	rddreg [dreg:$0x2];
	_ =	strace $0x80000047  }
0xb: {  	s4 =	sadd.s32 $0xF42E00, s3;
	s3 =	sadd.s32 $0xA00, s3  }
0xc: {  	p0 =	slt.u32 s5, $0x1A;
	s7 =	simm.s32 $0x1;
	s5 =	smin.u32 s5, $0x1A  }
0xd: {  	s8 =	ssub.s32 $0x2, s6;
	s31 =	simm.s32 $0x400;
	[dreg:$0x4] =	wrdreg s4  }
0xe: {  	s4 =	simm.s32 $0x1;
	s7 =	simm.s32 @!p0 $0x0;
	[dreg:$0x5] =	wrdreg s31  }
0xf: {  	s30 =	sshll.u32 s5, $0xB;
	s9 =	sshrl.u32 s8, $0x1;
	[dreg:$0x3] =	wrdreg s7  }
0x10: {  	s6 =	sadd.s32 s3, s30;
	s7 =	simm.s32 $0xF;
	s8 =	ssub.s32 s8, s9  }
0x11: {  	s9 =	simm.s32 $0x5;
	s7 =	simm.s32 @!p0 $0xFFFFFFFF;
	s8 =	smax.u32 s8, $0x1  }
.LBB2_2:
0x12: {  	_ =	strace $0x80000048  }
0x13: {  	s10 =	simm.s32 $0x0;
	p0 =	por $0x0, $0x0;
	s11 =	simm.s32 $0x1  }
0x14: {  	[tilespmem:s10], [sflag:$0x1] =	stream.linear.gather [hbm4b:s6+s10], $0x400, $0x200038;
	[tilespmem:$0x10800] =	vst v63  }
0x15: {  	s11 =	simm.s32 @!p0 $0x0;
	_ =	strace $0x90000048  }
0x16: {  	s11 =	sadd.s32 $0x0, s11;
	s13 =	rddreg [dreg:$0x3]  }
0x17: {  	s12 =	simm.s32 $0x1;
	p1 =	seq.s32 s11, s13  }
0x18: {  	s12 =	simm.s32 @p0 $0x0;
	s11 =	simm.s32 @p1 $0x0  }
0x19: {  	p5 =	sne.s32 s12, $0x0;
	p4 =	sne.s32 s11, $0x0  }
0x1a: {  	p6 =	sgt.s32 s7, $0x0;
	p1 =	por p5, p4  }
0x1b: {  	p0 =	por !p6, !p1  }
0x1c: {  	p0 =	por !p0, !p0  }
0x1d: {  	s13 =	sadd.s32 @p0 s5, s11  }
0x1e: {  	s14 =	sshll.u32 @p0 s12, $0xA;
	s13 =	sshll.u32 @p0 s13, $0xE  }
0x1f: {  	s15 =	sand.u32 @p0 $0x1, s4;
	s13 =	sadd.s32 @p0 s14, s13  }
0x20: {  	_ =	strace @p0 $0x80000049;
	s16 =	simm.s32 @p0 $0x0;
	s13 =	sshrl.u32 @p0 s13, $0x3  }
0x21: {  	s14 =	sshll.u32 @p0 s15, $0xA;
	s15 =	sadd.s32 @p0 $0x1, s15;
	s13 =	sadd.s32 @p0 s3, s13  }
0x22: {  	[tilespmem:s14], [sflag:s15] =	stream.linear.gather @p0 [hbm4b:s13+s16], $0x400, $0x200038;
	[tilespmem:$0x10800] =	vst v63  }
0x23: {  	s15 =	sand.u32 $0x1, s10;
	_ =	strace @p0 $0x90000049  }
0x24: {  	s28 =	sadd.s32 $0x1, s15;
	_ =	strace $0x8000004A  }
0x25: {  	_ =	swait.ge [sflag:s28], $0x400  }
0x26: {  	[sflag:s28] =	ssyncset.done $0x0  }
0x27: {  	[sflag:s28] =	ssyncadd.s32 $0xFFFFFC00  }
0x28: {  	_ =	strace $0x9000004A  }
0x29: {  	s17 =	simm.s32 $0x0;
	p2 =	seq.s32 s7, $0x0;
	_ =	strace $0x8000004B  }
0x2a: {  	s20 =	simm.s32 $0x1;
	s31 =	sshll.u32 s15, $0xF;
	s29 =	rddreg [dreg:$0x4]  }
0x2b: {  	s17 =	sand.u32 $0x400, s17;
	s16 =	sor.u32 $0x800, s31;
	s30 =	rddreg [dreg:$0x5]  }
0x2c: {  	[tilespmem:s16], [sflag:$0x5] =	stream.indirect.gather [hbm4b:s29+s30], $0x20, s17, s30, $0x2000b8;
	[tilespmem:$0x10800] =	vst v63  }
0x2d: {  	p2 =	por p2, p1;
	p1 =	por $0x1, $0x1;
	_ =	swait.ge [sflag:s9], $0x8000  }
0x2e: {  	s18 =	smul.u32 @p2 $0xD0000, s10;
	s21 =	simm.s32 @p2 $0x340;
	[sflag:s9] =	ssyncset.done $0x0  }
0x2f: {  	s20 =	simm.s32 @!p2 $0x0;
	s17 =	sadd.s32 $0x0, s5;
	[sflag:s9] =	ssyncadd.s32 $0xFFFF8000  }
0x30: {  	s13 =	simm.s32 $0x1;
	s17 =	sshll.u32 @p2 s17, $0x5;
	_ =	strace $0x9000004B  }
0x31: {  	s14 =	simm.s32 $0x1;
	s17 =	sadd.s32 @p2 s17, s18;
	_ =	strace @p2 $0x8000004C  }
0x32: {  	s14 =	simm.s32 @!p0 $0x0;
	s17 =	sshrl.u32 @p2 s17, $0x3;
	s19 =	rddreg [dreg:$0x6]  }
0x33: {  	s15 =	sadd.s32 @p2 $0x3, s15;
	s18 =	simm.s32 @p2 $0x20;
	s17 =	sadd.s32 @p2 s19, s17  }
0x34: {  	[hbm4b:s17+s18] =	stream.strided.scatter @p2 [tilespmem:s16], [sflag:s15], $0x8000, s21, s18, $0x200038;
	[tilespmem:$0x10800] =	vst v63  }
0x35: {  	p0 =	por $0x0, $0x0;
	s16 =	sand.u32 @!p1 $0x1, s10;
	_ =	strace @p2 $0x9000004C  }
0x36: {  	s14 =	sadd.s32 $0x1, s14;
	s18 =	sadd.s32 @!p1 $0x3, s16;
	_ =	strace @!p1 $0x8000004D  }
0x37: {  	s15 =	sadd.s32 $0x0, s20;
	s17 =	simm.s32 $0x1;
	_ =	swait.ge @!p1 [sflag:s18], $0x8000  }
0x38: {  	s16 =	sadd.s32 $0x0, s20;
	s17 =	simm.s32 @!p0 $0x0;
	[sflag:s18] =	ssyncset.done @!p1 $0x0  }
.LBB2_3:
0x39: {  	[sflag:s18] =	ssyncadd.s32 @!p1 $0xFFFF8000;
	s18 =	smov.u32 s12;
	s12 =	sadd.s32 $0x1, s12  }
0x3a: {  	s21 =	simm.s32 $0x1;
	_ =	strace @!p1 $0x9000004D;
	p1 =	seq.s32 s12, $0x10  }
0x3b: {  	s21 =	simm.s32 @!p1 $0x0  }
0x3c: {  	s19 =	smov.u32 s11;
	s20 =	rddreg [dreg:$0x3];
	s11 =	sadd.s32 s21, s11  }
0x3d: {  	s12 =	simm.s32 @p1 $0x0;
	p1 =	seq.s32 s11, s20  }
0x3e: {  	s11 =	simm.s32 @p1 $0x0  }
0x3f: {  	s25 =	smov.u32 s13;
	p2 =	sne.s32 s18, s12;
	p1 =	sne.s32 s19, s11  }
0x40: {  	p5 =	slt.s32 s25, s7;
	p1 =	por p2, p1  }
0x41: {  	p2 =	por !p5, !p1  }
0x42: {  	p2 =	por !p2, !p2  }
0x43: {  	s22 =	simm.s32 $0x1;
	s20 =	sadd.s32 @p2 s5, s11  }
0x44: {  	s21 =	sand.u32 @p2 $0x1, s14;
	s23 =	sshll.u32 @p2 s12, $0xA;
	s20 =	sshll.u32 @p2 s20, $0xE  }
0x45: {  	s22 =	simm.s32 @!p2 $0x0;
	_ =	strace @p2 $0x80000049;
	s20 =	sadd.s32 @p2 s23, s20  }
0x46: {  	s24 =	sshll.u32 @p2 s21, $0xA;
	s21 =	sadd.s32 @p2 $0x1, s21;
	s20 =	sshrl.u32 @p2 s20, $0x3  }
0x47: {  	s14 =	sadd.s32 s22, s14;
	s22 =	simm.s32 @p2 $0x0;
	s20 =	sadd.s32 @p2 s3, s20  }
0x48: {  	[tilespmem:s24], [sflag:s21] =	stream.linear.gather @p2 [hbm4b:s20+s22], $0x400, $0x200038;
	[tilespmem:$0x10800] =	vst v63  }
0x49: {  	s26 =	sand.u32 $0x1, s15;
	_ =	strace @p2 $0x90000049  }
0x4a: {  	s20 =	sadd.s32 $0x1, s26;
	_ =	strace $0x8000004A  }
0x4b: {  	_ =	swait.ge [sflag:s20], $0x400  }
0x4c: {  	[sflag:s20] =	ssyncset.done $0x0  }
0x4d: {  	[sflag:s20] =	ssyncadd.s32 $0xFFFFFC00  }
0x4e: {  	s13 =	sadd.s32 $0x1, s13;
	_ =	strace $0x9000004A  }
0x4f: {  	s30 =	sshll.u32 s15, $0xA;
	s20 =	sand.u32 $0x1, s16;
	_ =	strace $0x8000004B  }
0x50: {  	p6 =	seq.s32 s7, s25;
	s29 =	sshll.u32 s20, $0xF;
	s28 =	rddreg [dreg:$0x4]  }
0x51: {  	s23 =	sand.u32 $0x400, s30;
	s22 =	sor.u32 $0x800, s29;
	s31 =	rddreg [dreg:$0x5]  }
0x52: {  	[tilespmem:s22], [sflag:$0x5] =	stream.indirect.gather [hbm4b:s28+s31], $0x20, s23, s31, $0x2000b8;
	[tilespmem:$0x10800] =	vst v63  }
0x53: {  	p0 =	sne.s32 s13, $0x10;
	p2 =	por p6, p1;
	_ =	swait.ge [sflag:s9], $0x8000  }
0x54: {  	s19 =	sadd.s32 s5, s19;
	s18 =	smul.u32 @p2 $0xD0000, s18;
	[sflag:s9] =	ssyncset.done $0x0  }
0x55: {  	s21 =	simm.s32 $0x1;
	s19 =	sshll.u32 @p2 s19, $0x5;
	[sflag:s9] =	ssyncadd.s32 $0xFFFF8000  }
0x56: {  	s21 =	simm.s32 @!p2 $0x0;
	s18 =	sadd.s32 @p2 s19, s18;
	_ =	strace $0x9000004B  }
0x57: {  	s15 =	sadd.s32 s21, s15;
	s18 =	sshrl.u32 @p2 s18, $0x3;
	_ =	strace @p2 $0x8000004C  }
0x58: {  	s16 =	sadd.s32 s21, s16;
	s19 =	sadd.s32 @p2 $0x3, s20;
	s20 =	rddreg [dreg:$0x6]  }
0x59: {  	s21 =	simm.s32 @p2 $0x20;
	s23 =	simm.s32 @p2 $0x340;
	s18 =	sadd.s32 @p2 s20, s18  }
0x5a: {  	[hbm4b:s18+s21] =	stream.strided.scatter @p2 [tilespmem:s22], [sflag:s19], $0x8000, s23, s21, $0x200038;
	[tilespmem:$0x10800] =	vst v63  }
.Ltmp1:
0x5b: {  	s10 =	sadd.s32 s17, s10;
	p1 =	seq.s32 s25, $0x0;
	(pc) =	sbr.rel @p0 .LBB2_3-.Ltmp1, $4  }
0x5c: {  	s18 =	sand.u32 @!p1 $0x1, s10;
	_ =	strace @p2 $0x9000004C  }
0x5d: {  	s18 =	sadd.s32 @!p1 $0x3, s18;
	_ =	strace @!p1 $0x8000004D  }
0x5e: {  	s17 =	simm.s32 $0x1;
	p2 =	sne.s32 s25, $0x0;
	_ =	swait.ge @!p1 [sflag:s18], $0x8000  }
0x5f: {  	s17 =	simm.s32 @!p2 $0x0;
	[sflag:s18] =	ssyncset.done @!p1 $0x0  }
0x60: {  	[sflag:s18] =	ssyncadd.s32 @!p1 $0xFFFF8000;
	s10 =	sadd.s32 s17, s10;
	s2 =	sadd.s32 $0x1, s2  }
0x61: {  	_ =	strace @!p1 $0x9000004D;
	s10 =	sand.u32 $0x1, s10;
	p0 =	sne.s32 s2, s8  }
.Ltmp2:
0x62: {  	_ =	strace $0x8000004E;
	s10 =	sadd.s32 $0x3, s10;
	(pc) =	sbr.rel @p0 .LBB2_2-.Ltmp2, $4  }
0x63: {  	_ =	swait.ge [sflag:s10], $0x8000  }
0x64: {  	[sflag:s10] =	ssyncset.done $0x0  }
0x65: {  	[sflag:s10] =	ssyncadd.s32 $0xFFFF8000  }
0x66: {  	_ =	strace $0x9000004E  }
.LBB2_5:
0x67: {  	_ =	sfence.sel $0x180000  }
0x68: {  	[bflag:$0x0] =	sbarrier.arrive $0xFFFF  }
0x69: {  	p0 =	sne.s32 s1, $0x0;
	_ =	strace $0x90000047  }
0x6a: {  	s0 =	sadd.s32 @!p0 $0x100000, s0;
	[bflag:$0x2] =	sbarrier.arrive $0xFFFF  }
0x6b: {  	[sflag:s0] =	ssyncadd.tile.s32 @!p0 $0x1;
	_ =	shalt  }
.Lfunc_end2:
_tile_overlayer_lowered:
.L_overlay_start_2:
0x6c: {  	(tag) =	ssettag $0x2  }
0x6d: {  	s0 =	rddreg [dreg:$0x0];
	s2 =	stileid.u32  }
0x6e: {  	s1 =	rddreg [dreg:$0x1];
	p0 =	sne.s32 s2, $0x0  }
0x6f: {  	s3 =	rddreg [dreg:$0x2];
	[bflag:$0x3] =	sbarrier.arrive $0xFFFF;
	s2 =	simm.s32 @!p0 $0x1C01  }
0x70: {  	[timem:s3], [sflag:s2] =	dma.local @!p0 [hbm:s0], s1  }
0x71: {  	s0 =	simm.s32 @!p0 $0x1  }
0x72: {  	_ =	swait.ge @!p0 [sflag:s0], s1  }
0x73: {  	s1 =	ssub.s32 @!p0 $0x0, s1;
	[sflag:s0] =	ssyncset.done @!p0 $0x0  }
0x74: {  	[sflag:s0] =	ssyncadd.s32 @!p0 s1  }
0x75: {  	[bflag:$0x3] =	sbarrier.arrive $0xFFFF  }
0x76: {  	_ =	shalt  }

// kernel: sparse-core-data-format-call.cloned.1.call-start
scs
called_computation_lowered:
.L_overlay_start_0:
0x0: {  	s2 =	sld [smem:$0x3FD9]  }
0x1: {  	s3 =	sld [smem:$0x3FFE];
	_ =	sdelay $0x1  }
0x2: {  	s1 =	srdreg.scid  }
0x3: {  	s0 =	sand.u32 $0x1, s1  }
0x4: {  	s18 =	sshll.u32 s0, $0xA;
	s2 =	sadd.s32 s3, s2  }
0x5: {  	s2 =	sadd.s32 s2, s18  }
0x6: {  	[smem:$0x3FC6] =	sst s2  }
0x7: {  	_ = 	snop  }
0x8: {  	s2 =	sld [smem:$0x3FD0];
	(tm) =	ssettm $0x1  }
0x9: {  	s19 =	sld [smem:$0x3FFB];
	_ =	sdelay $0x3  }
0xa: {  	_ =	strace s19  }
0xb: {  	s3 =	sld [smem:$0x3FFC];
	_ =	sdelay $0x3  }
0xc: {  	_ =	strace s3  }
0xd: {  	s3 =	sld [smem:$0x3FFD];
	_ =	sdelay $0x3  }
0xe: {  	_ =	strace s3  }
0xf: {  	_ =	strace $0x8FFFFFFF  }
0x10: {  	s20 =	sld [smem:$0x3FDB];
	_ =	sdelay $0x1  }
0x11: {  	s4 =	simm.s32 $_scs_section_size  }
0x12: {  	s5 =	simm.s32 $_size__tile_overlayer_lowered;
	s6 =	simm.s32 $_tile_overlayer_lowered  }
0x13: {  	s23 =	simm.s32 $0x1BFF;
	s22 =	sshll.u32 s6, $0x1;
	s3 =	sadd.s32 s4, s20  }
0x14: {  	s7 =	simm.s32 $0x0;
	s21 =	sshll.u32 s5, $0x1;
	s5 =	sadd.s32 s22, s3  }
0x15: {  	[timem:s7], [sflag:s23] =	dma.local [hbm:s5], s21  }
0x16: {  	_ =	swait.ge [sflag:s23], s21  }
0x17: {  	s4 =	ssub.s32 $0x0, s21;
	[sflag:s23] =	ssyncset.done $0x0  }
0x18: {  	[sflag:s23] =	ssyncadd.s32 s4;
	_ =	sdelay $0x1  }
0x19: {  	s24 =	simm.s32 $0x1B8B  }
0x1a: {  	_ =	swait.ge [sflag:s24], $0x1  }
0x1b: {  	[sflag:s24] =	ssyncset.done $0x0  }
0x1c: {  	s26 =	simm.s32 $0x1B8E;
	s25 =	sld [smem:$0x3FFE];
	[sflag:s24] =	ssyncadd.s32 $0xFFFFFFFF  }
0x1d: {  	s27 =	simm.s32 $execute0_lowered;
	[smem:$0x3FD2] =	sst s26  }
0x1e: {  	s5 =	sshll.u32 s27, $0x1;
	_ =	strace $0x80000050;
	[dreg:$0x1] =	wrdreg $0xFFFFFFFF  }
0x1f: {  	s28 =	simm.s32 $_size_execute0_lowered;
	s3 =	sadd.s32 s3, s5;
	[dreg:$0x0] =	wrdreg $0x0  }
0x20: {  	s5 =	sshll.u32 s28, $0x1;
	[dreg:$0x2] =	wrdreg s3  }
0x21: {  	[dreg:$0x3] =	wrdreg s5  }
0x22: {  	[dreg:$0x4] =	wrdreg $0xC0  }
0x23: {  	_ =	task [dreg:s7], $0x5FFFF  }
0x24: {  	[dreg:$0x1] =	wrdreg $0xFFFFFFFF  }
0x25: {  	[dreg:$0x0] =	wrdreg $0x60  }
0x26: {  	[dreg:$0x2] =	wrdreg s25  }
0x27: {  	[dreg:$0x3] =	wrdreg s2  }
0x28: {  	[dreg:$0x4] =	wrdreg $0x9  }
0x29: {  	_ =	task.clear_ibuf [dreg:s7], $0x5FFFF;
	_ =	strace $0x90000050  }
0x2a: {  	s29 =	simm.s32 $0x9;
	_ =	strace $0x80000052  }
0x2b: {  	_ =	swait.ge [sflag:s29], $0x1  }
0x2c: {  	[sflag:s29] =	ssyncadd.s32 $0xFFFFFFFF  }
0x2d: {  	_ =	strace $0x90000052  }
0x2e: {  	_ =	sfence  }
0x2f: {  	s30 =	sld [smem:$0x0];
	_ =	sdelay $0x2  }
0x30: {  	s31 =	sshll.u32 s1, $0xD;
	s1 =	sshrl.u32 s1, $0x2  }
0x31: {  	s3 =	sand.u32 $0x4000, s31;
	s1 =	sadd.s32 s1, s30  }
0x32: {  	s0 =	sor.u32 s3, s0;
	s1 =	sshll.u32 s1, $0x11  }
0x33: {  	s0 =	sor.u32 s1, s0  }
0x34: {  	s0 =	sadd.s32 $0x8F2B, s0  }
0x35: {  	[sflag:s0] =	ssyncadd.remote.s32 $0x1  }
0x36: {  	_ =	sfence.sel $0xFFFF  }
0x37: {  	[dreg:$0x0] =	wrdreg $0xFFFFFFFF;
	(pc) =	sbr.abs _section_cstart, $3  }
0x38: {  	[dreg:$0x1] =	wrdreg $0xFFFFFFFF  }
0x39: {  	_ =	task.clear_ibuf [dreg:s7], $0x2FFFF;
	_ =	strace $0x9FFFFFFF  }
0x3a: {  	(tm) =	ssettm $0x7FFFFFFF  }
0x3b: {  	_ =	shalt  }
tec
execute0_lowered:
.L_overlay_start_1:
0x0: {  	(tag) =	ssettag $0x1  }
0x1: {  	s0 =	srdreg.scid  }
0x2: {  	s1 =	sshll.u32 s0, $0x4  }
0x3: {  	s0 =	stileid.u32;
	s1 =	sand.u32 $0x10, s1  }
0x4: {  	s1 =	sor.u32 s0, s1  }
0x5: {  	s6 =	rddreg [dreg:$0x0];
	s4 =	simm.s32 $0x1;
	s2 =	sshll.u32 s1, $0x7  }
0x6: {  	s7 =	simm.s32 $0x2;
	s12 =	simm.s32 $0x0;
	s1 =	ssub.s32 $0x4000, s2  }
0x7: {  	s8 =	simm.s32 $0x20000;
	s13 =	simm.s32 $0x0;
	s3 =	sand.u32 $0xF80, s1  }
0x8: {  	s9 =	simm.s32 $0x0;
	s5 =	sshrl.u32 s1, $0xC;
	p0 =	sne.s32 s3, $0x0  }
.Ltmp0:
0x9: {  	s1 =	rddreg [dreg:$0x2];
	s4 =	simm.s32 @!p0 $0x0;
	(pc) =	sbr.rel .LBB1_1-.Ltmp0, $4  }
0xa: {  	s11 =	simm.s32 $0x0;
	s3 =	rddreg [dreg:$0x1];
	s5 =	sadd.s32 s4, s5  }
0xb: {  	_ =	strace $0x80000051;
	s4 =	simm.s32 $0x1;
	s5 =	smul.u32 $0x1A, s5  }
0xc: {  	s6 =	sadd.s32 $0xA00, s6;
	s10 =	smov.u32 s2;
	[sflag:s4] =	ssyncpa.u1 $0x0  }
0xd: {  	p0 =	por $0x0, $0x0;
	[sflag:s7] =	ssyncpa.u1 $0x0;
	s7 =	sor.u32 $0x1, s5  }
.LBB1_4:
0xe: {  	s16 =	sshll.u32 s13, $0x3;
	s17 =	sand.u32 $0x78, s13  }
0xf: {  	s30 =	sand.u32 $0xF800, s13;
	s12 =	sshll.u32 s12, $0x10;
	s16 =	sand.u32 $0x3C00, s16  }
0x10: {  	s31 =	sand.u32 $0x7, s13;
	s16 =	sor.u32 s17, s16;
	s17 =	sadd.s32 s3, s30  }
0x11: {  	s13 =	sshll.u32 s31, $0x12;
	s16 =	sshrl.u32 s16, $0x3;
	s12 =	sadd.s32 s12, s17  }
0x12: {  	[tilespmem:s15+$0x0 ss:$0x81] =	vst.msk $0xffff, v0;
	s13 =	sor.u32 $0x400, s13;
	s12 =	sadd.s32 s16, s12  }
0x13: {  	[hbm4b:s12+s13] =	stream.strided.scatter [tilespmem:s14], [sflag:$0x2], $0x1000, s8, s13, $0x20;
	[tilespmem:$0x4040] =	vst v63  }
.LBB1_5:
0x14: {  	s14 =	sadd.s32 $0x1, s9  }
0x15: {  	s12 =	sadd.s32 $0x1000, s10;
	s16 =	smov.u32 s10;
	p2 =	sgt.s32 s14, $0x19  }
0x16: {  	s16 =	smov.u32 @p2 s12  }
0x17: {  	s14 =	simm.s32 @p2 $0x0;
	p2 =	sgt.s32 s16, $0x3FFF  }
0x18: {  	s16 =	smov.u32 @p2 s2;
	p2 =	sne.s32 s11, s7  }
.Ltmp1:
0x19: {  	p1 =	slt.u32 s11, $0x2;
	(pc) =	sbr.rel @!p2 .LBB1_6-.Ltmp1, $4  }
0x1a: {  	s15 =	simm.s32 @!p1 $0x2  }
0x1b: {  	s13 =	smov.u32 s10;
	p0 =	por !p0, !p0;
	_ =	swait.ge @!p1 [sflag:s15], $0x1000  }
0x1c: {  	s12 =	smov.u32 s9;
	[sflag:s15] =	ssyncset.done @!p1 $0x0;
	s9 =	smov.u32 s14  }
0x1d: {  	s11 =	sadd.s32 $0x1, s11;
	[sflag:s15] =	ssyncadd.s32 @!p1 $0xFFFFF000;
	s10 =	smov.u32 s16  }
.LBB1_1:
0x1e: {  	p1 =	sge.u32 s11, s5  }
0x1f: {  	s31 =	sadd.s32 $0xFFFFFFFF, s11;
	s14 =	sxor.u32 @!p1 $0xFFFFFFFF, s11  }
0x20: {  	s15 =	sshll.u32 @!p1 s10, $0x9;
	s16 =	sshll.u32 @!p1 s9, $0x4;
	s17 =	simm.s32 @!p1 $0x1000  }
0x21: {  	s14 =	sshll.u32 @!p1 s14, $0xC;
	s16 =	sand.u32 @!p1 $0x1F0, s16;
	s15 =	sadd.s32 @!p1 s6, s15  }
0x22: {  	s14 =	sand.u32 @!p1 $0x1000, s14;
	s15 =	sadd.s32 @!p1 s16, s15;
	s16 =	simm.s32 @!p1 $0x20  }
0x23: {  	[tilespmem:s14], [sflag:$0x1] =	stream.strided.gather @!p1 [hbm4b:s15+s16], $0x1000, s17, s16, $0x38;
	[tilespmem:$0x4040] =	vst v63  }
0x24: {  	p1 =	sge.u32 s31, s5  }
.Ltmp2:
0x25: {  	_ = 	snop;
	(pc) =	sbr.rel @p1 .LBB1_5-.Ltmp2, $1  }
0x26: {  	_ =	sdelay $0x3  }
0x27: {  	s14 =	simm.s32 $0x1  }
0x28: {  	_ =	swait.ge [sflag:s4], $0x1000;
	s14 =	simm.s32 @!p0 $0x0  }
0x29: {  	[sflag:s4] =	ssyncset.done $0x0;
	s15 =	sshll.u32 s14, $0xC  }
0x2a: {  	[sflag:s4] =	ssyncadd.s32 $0xFFFFF000;
	s18 =	sor.u32 $0x10, s15  }
0x2b: {  	s14 =	smul.u32 $0x4080, s14;
	v1 =	vld [tilespmem:s18+$0x0]  }
0x2c: {  	s30 =	sand.u32 $0x1, s11;
	v0 =	vld [tilespmem:s18+$0xFFFFFFF0]  }
0x2d: {  	s15 =	smul.u32 $0x4080, s30;
	s14 =	sshrl.u32 s14, $0x2  }
0x2e: {  	s16 =	sor.u32 $0x2000, s14  }
0x2f: {  	s31 =	sshrl.u32 s15, $0x2;
	s15 =	sadd.s32 $0x0, s16  }
0x30: {  	s17 =	simm.s32 $0x4;
	s18 =	sadd.s32 $0x20, s18;
	s14 =	sor.u32 $0x2000, s31;
	[tilespmem:s15+$0x810 ss:$0x81] =	vst.msk $0xffff, v1  }
.LBB1_3:
0x31: {  	v1 =	vld [tilespmem:s18+$0x0];
	p1 =	sne.s32 s17, $0x1FC;
	[tilespmem:s15+$0x0 ss:$0x81] =	vst.msk $0xffff, v0;
	s15 =	smov.u32 s17;
	s17 =	sadd.s32 $0x4, s17  }
.Ltmp3:
0x32: {  	v0 =	vld [tilespmem:s18+$0xFFFFFFF0];
	(pc) =	sbr.rel @p1 .LBB1_3-.Ltmp3, $4  }
0x33: {  	_ = 	snop  }
0x34: {  	s15 =	sshra.s32 s15, $0x2  }
0x35: {  	s15 =	sadd.s32 s15, s16  }
0x36: {  	s18 =	sadd.s32 $0x20, s18;
	[tilespmem:s15+$0x810 ss:$0x81] =	vst.msk $0xffff, v1  }
.Ltmp4:
0x37: {  	_ = 	snop;
	(pc) =	sbr.rel .LBB1_4-.Ltmp4, $1  }
0x38: {  	_ =	sdelay $0x3  }
.LBB1_6:
0x39: {  	_ =	sfence.sel $0x180000  }
0x3a: {  	s2 =	simm.s32 $0x1;
	[bflag:$0x0] =	sbarrier.arrive $0xFFFF  }
0x3b: {  	s31 =	simm.s32 $0x2;
	[sflag:s2] =	ssyncpa.u1 $0x1  }
0x3c: {  	[sflag:s31] =	ssyncpa.u1 $0x1  }
0x3d: {  	p0 =	sne.s32 s0, $0x0;
	_ =	strace $0x90000051  }
0x3e: {  	s0 =	sadd.s32 @!p0 $0x100000, s1;
	[bflag:$0x2] =	sbarrier.arrive $0xFFFF  }
0x3f: {  	[sflag:s0] =	ssyncadd.tile.s32 @!p0 $0x1;
	_ =	shalt  }
.Lfunc_end1:
_tile_overlayer_lowered:
.L_overlay_start_2:
0x40: {  	(tag) =	ssettag $0x2  }
0x41: {  	s0 =	rddreg [dreg:$0x0];
	s2 =	stileid.u32  }
0x42: {  	s1 =	rddreg [dreg:$0x1];
	p0 =	sne.s32 s2, $0x0  }
0x43: {  	s3 =	rddreg [dreg:$0x2];
	[bflag:$0x3] =	sbarrier.arrive $0xFFFF;
	s2 =	simm.s32 @!p0 $0x1C01  }
0x44: {  	[timem:s3], [sflag:s2] =	dma.local @!p0 [hbm:s0], s1  }
0x45: {  	s0 =	simm.s32 @!p0 $0x1  }
0x46: {  	_ =	swait.ge @!p0 [sflag:s0], s1  }
0x47: {  	s1 =	ssub.s32 @!p0 $0x0, s1;
	[sflag:s0] =	ssyncset.done @!p0 $0x0  }
0x48: {  	[sflag:s0] =	ssyncadd.s32 @!p0 s1  }
0x49: {  	[bflag:$0x3] =	sbarrier.arrive $0xFFFF  }
0x4a: {  	_ =	shalt  }

</sc_bundles>
